<compile_context>
chip_gen: v7x
topology: tpu7x:2x2x1
jax: 0.10.2.dev20260603
libtpu: 0.0.44.dev20260713+nightly
codegen_flags: <defaults>
</compile_context>

<pallas_src>
import functools

import numpy as np
import jax
import jax.numpy as jnp
from jax import lax
from jax.experimental import pallas as pl
from jax.experimental.pallas import tpu as pltpu
from jax.experimental.pallas import tpu_sc as plsc

_MARGIN = 0.1
_N_PAIRS = 100000
_LANES = 16
_NC = 2
_NS = 16
_NW = _NC * _NS

_idx_cache = {}


def _threefry2x32(k1, k2, x1, x2):
    def rotl(x, r):
        return ((x << np.uint32(r)) | (x >> np.uint32(32 - r))).astype(np.uint32)

    x1 = x1.astype(np.uint32).copy()
    x2 = x2.astype(np.uint32).copy()
    ks0 = np.uint32(k1)
    ks1 = np.uint32(k2)
    ks2 = np.uint32(ks0 ^ ks1 ^ np.uint32(0x1BD11BDA))
    ks = [ks0, ks1, ks2]
    rot = [(13, 15, 26, 6), (17, 29, 16, 24)]
    x1 += ks0
    x2 += ks1
    for i in range(5):
        for r in rot[i % 2]:
            x1 += x2
            x2 = rotl(x2, r)
            x2 ^= x1
        x1 += ks[(i + 1) % 3]
        x2 += ks[(i + 2) % 3] + np.uint32(i + 1)
    return x1, x2


def _tf_split(kd, num):
    w0, w1 = _threefry2x32(kd[0], kd[1], np.zeros(num, np.uint32),
                           np.arange(num, dtype=np.uint32))
    return np.stack([w0, w1], axis=1)


def _tf_bits32(kd, n):
    w0, w1 = _threefry2x32(kd[0], kd[1], np.zeros(n, np.uint32),
                           np.arange(n, dtype=np.uint32))
    return w0 ^ w1


def _tf_randint(kd, n, minval, maxval):
    ks = _tf_split(kd, 2)
    higher = _tf_bits32(ks[0], n)
    lower = _tf_bits32(ks[1], n)
    span = np.uint32(maxval - minval)
    mult = np.uint32((np.uint64(65536 % int(span)) ** 2) % np.uint64(span))
    out = ((higher % span) * mult + lower % span) % span
    return np.int32(minval) + out.astype(np.int32)


def _pair_indices(batch_size):
    got = _idx_cache.get(batch_size)
    if got is not None:
        return got
    n_pairs = min(_N_PAIRS, batch_size * (batch_size - 1) // 2)
    root = np.array([0, 42], dtype=np.uint32)
    ks = _tf_split(root, 2)
    idx_i = _tf_randint(ks[0], n_pairs, 0, batch_size)
    idx_j = _tf_randint(ks[1], n_pairs, 0, batch_size)
    keep = idx_i != idx_j
    idx_i, idx_j = idx_i[keep], idx_j[keep]
    n_eff = idx_i.shape[0]
    chunk = 4 * _LANES
    if batch_size % 32 == 0:
        ni, nj = 4, 8
    else:
        ni, nj = 1, 1
    si, sj = batch_size // ni, batch_size // nj
    shift = max(1, (sj - 1).bit_length())
    bucket = (idx_i // si) * nj + (idx_j // sj)
    order = np.argsort(bucket * np.int64(batch_size) + idx_i, kind="stable")
    idx_i, idx_j, bucket = idx_i[order], idx_j[order], bucket[order]
    counts = np.bincount(bucket, minlength=_NW)
    per_tile = -(-int(counts.max()) // chunk) * chunk
    packed = np.full(per_tile * _NW, -1, np.int32)
    vals = ((idx_i % si).astype(np.int64) << shift | (idx_j % sj)).astype(np.int32)
    starts = np.concatenate([[0], np.cumsum(counts)[:-1]])
    for b in range(_NW):
        seg = vals[starts[b]:starts[b] + counts[b]]
        packed[b * per_tile:b * per_tile + counts[b]] = seg
    got = (jnp.asarray(packed), per_tile, shift, si, sj)
    _idx_cache[batch_size] = got
    return got


@functools.lru_cache(maxsize=None)
def _make_sc_call(batch, per_tile, shift, si, sj):
    si_pow2 = si & (si - 1) == 0
    mask_i = jnp.int32(si - 1) if si_pow2 else jnp.int32((1 << si.bit_length()) - 1)
    mask_lo = jnp.int32((1 << shift) - 1)
    nj = batch // sj
    mesh = plsc.VectorSubcoreMesh(core_axis_name="c", subcore_axis_name="s")

    @functools.partial(
        pl.kernel,
        mesh=mesh,
        compiler_params=pltpu.CompilerParams(needs_layout_passes=False),
        out_type=jax.ShapeDtypeStruct((2, _NW, _LANES), jnp.float32),
        scratch_types=[
            pltpu.VMEM((si,), jnp.float32),
            pltpu.VMEM((si,), jnp.float32),
            pltpu.VMEM((sj,), jnp.float32),
            pltpu.VMEM((sj,), jnp.float32),
            pltpu.VMEM((per_tile,), jnp.int32),
            pltpu.VMEM((_LANES,), jnp.float32),
            pltpu.VMEM((_LANES,), jnp.float32),
            pltpu.SemaphoreType.DMA,
        ],
    )
    def call(pred_hbm, targ_hbm, pk_hbm, out_hbm,
             predi_v, targi_v, predj_v, targj_v, pk_v, lo_v, cn_v, sem):
        wid = lax.axis_index("s") * _NC + lax.axis_index("c")
        ilo = (wid // nj) * si
        jlo = (wid % nj) * sj
        base = wid * per_tile
        cps = [
            pltpu.async_copy(pk_hbm.at[pl.ds(base, per_tile)], pk_v, sem),
            pltpu.async_copy(pred_hbm.at[pl.ds(ilo, si)], predi_v, sem),
            pltpu.async_copy(targ_hbm.at[pl.ds(ilo, si)], targi_v, sem),
            pltpu.async_copy(pred_hbm.at[pl.ds(jlo, sj)], predj_v, sem),
            pltpu.async_copy(targ_hbm.at[pl.ds(jlo, sj)], targj_v, sem),
        ]
        for cp in cps:
            cp.wait()

        zero = jnp.zeros((_LANES,), jnp.float32)
        width = 4

        @plsc.parallel_loop(0, per_tile, width * _LANES, unroll=2,
                            carry=(zero,) * (2 * width))
        def acc(off, carry):
            out = []
            for k in range(width):
                al, ac = carry[2 * k], carry[2 * k + 1]
                pk = pk_v[pl.ds(off + k * _LANES, _LANES)]
                ii = lax.shift_right_logical(pk, jnp.int32(shift)) & mask_i
                jj = pk & mask_lo
                if not si_pow2:
                    ii = jnp.minimum(ii, jnp.int32(si - 1))
                    jj = jnp.minimum(jj, jnp.int32(sj - 1))
                pi = plsc.load_gather(predi_v, [ii])
                pj = plsc.load_gather(predj_v, [jj])
                ti = plsc.load_gather(targi_v, [ii])
                tj = plsc.load_gather(targj_v, [jj])
                d = pi - pj
                sd = jnp.where(ti > tj, d, -d)
                loss = jnp.maximum(_MARGIN - sd, jnp.float32(0.0))
                m = (ti != tj) & (pk >= 0)
                out.append(al + jnp.where(m, loss, jnp.float32(0.0)))
                out.append(ac + jnp.where(m, jnp.float32(1.0), jnp.float32(0.0)))
            return tuple(out)

        al = acc[0] + acc[2] + acc[4] + acc[6]
        ac = acc[1] + acc[3] + acc[5] + acc[7]
        lo_v[...] = al
        cn_v[...] = ac
        pltpu.sync_copy(lo_v, out_hbm.at[0, wid])
        pltpu.sync_copy(cn_v, out_hbm.at[1, wid])

    return call


def kernel(predictions, targets):
    batch = predictions.shape[0]
    packed, per_tile, shift, si, sj = _pair_indices(batch)
    call = _make_sc_call(batch, per_tile, shift, si, sj)
    parts = call(predictions, targets, packed)
    total = parts[0].sum()
    cnt = parts[1].sum()
    return total / jnp.maximum(cnt, 1.0)

# --- scband reference (transcript-rebuilt; emitter-appended) ---
"""Pipeline reference for scband-pairwise-ranking-loss-31499290149016 (READ-ONLY COPY).

The authoritative reference and input builder live on the scoring server;
editing this copy changes nothing except your own understanding.
"""

import jax, jax.numpy as jnp
import numpy as np

MARGIN = 0.1
N_PAIRS = 100000


def setup_inputs(seed: int = 0) -> dict:
    key = jax.random.key(seed)
    k1, k2 = jax.random.split(key)
    batch = 16384
    predictions = jax.random.normal(k1, (batch,), dtype=jnp.float32)
    targets = jax.random.normal(k2, (batch,), dtype=jnp.float32)
    return {"predictions": predictions, "targets": targets}


def reference(predictions, targets):
    batch_size = predictions.shape[0]
    n_pairs = min(N_PAIRS, batch_size * (batch_size - 1) // 2)
    # Pair sampling: torch uses torch.randint inside forward; here we use a
    # fixed jax PRNG key for determinism.
    kidx = jax.random.key(42)
    ki, kj = jax.random.split(kidx)
    idx_i = jax.random.randint(ki, (n_pairs,), 0, batch_size)
    idx_j = jax.random.randint(kj, (n_pairs,), 0, batch_size)
    # Validity mask: distinct indices and non-tied targets. Instead of boolean
    # indexing (dynamic shape), use mask-weighted mean (same math for 'mean').
    mask = (idx_i != idx_j) & (targets[idx_i] != targets[idx_j])
    pred_diff = predictions[idx_i] - predictions[idx_j]
    target_diff = targets[idx_i] - targets[idx_j]
    target_sign = jnp.sign(target_diff)
    loss = jax.nn.relu(MARGIN - target_sign * pred_diff)
    maskf = mask.astype(loss.dtype)
    denom = jnp.maximum(maskf.sum(), 1.0)
    return (loss * maskf).sum() / denom

if __name__ == "__main__":
    import jax
    _d = setup_inputs()
    print(jax.jit(kernel)(*tuple(_d.values())))

</pallas_src>

<mosaic_0001>
#map = affine_map<(d0, d1) -> (0)>
#map1 = affine_map<(d0, d1) -> (0, 0, 0)>
module attributes {stable_mosaic.version = 14 : i64} {
  func.func @_rewritten_body(%arg0: i32, %arg1: i32, %arg2: memref<16384xf32, #tpu.memory_space<hbm>>, %arg3: memref<16384xf32, #tpu.memory_space<hbm>>, %arg4: memref<106496xi32, #tpu.memory_space<hbm>>, %arg5: memref<1xi32, #tpu.memory_space<hbm>>, %arg6: memref<1xi32, #tpu.memory_space<hbm>>, %arg7: memref<2x32x16xf32, #tpu.memory_space<hbm>>, %arg8: memref<4096xf32, #tpu.memory_space<vmem>>, %arg9: memref<4096xf32, #tpu.memory_space<vmem>>, %arg10: memref<2048xf32, #tpu.memory_space<vmem>>, %arg11: memref<2048xf32, #tpu.memory_space<vmem>>, %arg12: memref<3328xi32, #tpu.memory_space<vmem>>, %arg13: memref<16xf32, #tpu.memory_space<vmem>>, %arg14: memref<16xf32, #tpu.memory_space<vmem>>, %arg15: memref<!tpu.dma_semaphore, #tpu.memory_space<semaphore_mem>>) attributes {dimension_semantics = [#tpu.dimension_semantics<core_parallel>, #tpu.dimension_semantics<subcore_parallel>], iteration_bounds = array<i64: 2, 16>, scalar_prefetch = 0 : i64, scratch_operands = 8 : i64, tpu.core_type = #tpu.core_type<sc_vector_subcore>, window_params = [{transform_indices = #map}, {transform_indices = #map}, {transform_indices = #map}, {transform_indices = #map}, {transform_indices = #map}, {transform_indices = #map1}]} {
    %empty_ref3A = memref.alloca() : memref<16xi32, #tpu.memory_space<vmem>>
    %empty_ref3A_0 = memref.alloca() : memref<16xi32, #tpu.memory_space<vmem>>
    "tpu.region"() ({
      %run_scoped3A_75 = tpu.sem_alloc : memref<!tpu.dma_semaphore, #tpu.memory_space<semaphore_mem>>
      %dma_start3A_76 = arith.constant 0 : i32
      %dma_start3A_77 = tpu.memref_slice %empty_ref3A[%dma_start3A_76] : memref<16xi32, #tpu.memory_space<vmem>> -> memref<1xi32, #tpu.memory_space<vmem>>
      %dma_start3A_78 = arith.constant 0 : i32
      %dma_start3A_79 = tpu.memref_slice %empty_ref3A[%dma_start3A_78] : memref<16xi32, #tpu.memory_space<vmem>> -> memref<1xi32, #tpu.memory_space<vmem>>
      tpu.enqueue_dma source(%arg5 : memref<1xi32, #tpu.memory_space<hbm>>) target(%dma_start3A_79 : memref<1xi32, #tpu.memory_space<vmem>>) target_semaphore(%run_scoped3A_75 : memref<!tpu.dma_semaphore, #tpu.memory_space<semaphore_mem>>)
      %dma_start3A_80 = arith.constant 0 : i32
      %dma_start3A_81 = tpu.memref_slice %empty_ref3A_0[%dma_start3A_80] : memref<16xi32, #tpu.memory_space<vmem>> -> memref<1xi32, #tpu.memory_space<vmem>>
      %dma_start3A_82 = arith.constant 0 : i32
      %dma_start3A_83 = tpu.memref_slice %empty_ref3A_0[%dma_start3A_82] : memref<16xi32, #tpu.memory_space<vmem>> -> memref<1xi32, #tpu.memory_space<vmem>>
      tpu.enqueue_dma source(%arg6 : memref<1xi32, #tpu.memory_space<hbm>>) target(%dma_start3A_83 : memref<1xi32, #tpu.memory_space<vmem>>) target_semaphore(%run_scoped3A_75 : memref<!tpu.dma_semaphore, #tpu.memory_space<semaphore_mem>>)
      %dma_wait3A_84 = arith.constant 0 : i32
      %dma_wait3A_85 = tpu.memref_slice %empty_ref3A[%dma_wait3A_84] : memref<16xi32, #tpu.memory_space<vmem>> -> memref<1xi32, #tpu.memory_space<vmem>>
      %dma_wait3A_86 = arith.constant 0 : i32
      %dma_wait3A_87 = tpu.memref_slice %empty_ref3A[%dma_wait3A_86] : memref<16xi32, #tpu.memory_space<vmem>> -> memref<1xi32, #tpu.memory_space<vmem>>
      tpu.wait_dma2 semaphore(%run_scoped3A_75 : memref<!tpu.dma_semaphore, #tpu.memory_space<semaphore_mem>>) src(%arg5 : memref<1xi32, #tpu.memory_space<hbm>>) dst(%dma_wait3A_87 : memref<1xi32, #tpu.memory_space<vmem>>)
      %dma_wait3A_88 = arith.constant 0 : i32
      %dma_wait3A_89 = tpu.memref_slice %empty_ref3A_0[%dma_wait3A_88] : memref<16xi32, #tpu.memory_space<vmem>> -> memref<1xi32, #tpu.memory_space<vmem>>
      %dma_wait3A_90 = arith.constant 0 : i32
      %dma_wait3A_91 = tpu.memref_slice %empty_ref3A_0[%dma_wait3A_90] : memref<16xi32, #tpu.memory_space<vmem>> -> memref<1xi32, #tpu.memory_space<vmem>>
      tpu.wait_dma2 semaphore(%run_scoped3A_75 : memref<!tpu.dma_semaphore, #tpu.memory_space<semaphore_mem>>) src(%arg6 : memref<1xi32, #tpu.memory_space<hbm>>) dst(%dma_wait3A_91 : memref<1xi32, #tpu.memory_space<vmem>>)
      tpu.yield
    }) : () -> ()
    %get3A = arith.constant 0 : index
    %get3A_1 = tpu.vector_load %empty_ref3A[%get3A] {strides = array<i32>} : memref<16xi32, #tpu.memory_space<vmem>>, vector<16xi32>,
    %slice3A = vector.extract_strided_slice %get3A_1 {offsets = [0], sizes = [1], strides = [1]} : vector<16xi32> to vector<1xi32>
    %squeeze3A = vector.extract %slice3A[0] : i32 from vector<1xi32>
    %get3A_2 = arith.constant 0 : index
    %get3A_3 = tpu.vector_load %empty_ref3A_0[%get3A_2] {strides = array<i32>} : memref<16xi32, #tpu.memory_space<vmem>>, vector<16xi32>,
    %slice3A_4 = vector.extract_strided_slice %get3A_3 {offsets = [0], sizes = [1], strides = [1]} : vector<16xi32> to vector<1xi32>
    %squeeze3A_5 = vector.extract %slice3A_4[0] : i32 from vector<1xi32>
    %mul3A = arith.constant 2 : i32
    %mul3A_6 = arith.muli %arg1, %mul3A : i32
    %add3A = arith.addi %mul3A_6, %arg0 : i32
    %jit3A = arith.constant 8 : i32
    %div3A = arith.divsi %add3A, %jit3A : i32
    %sign3A = arith.constant 0 : i32
    %sign3A_7 = arith.cmpi sgt, %add3A, %sign3A : i32
    %sign3A_8 = arith.extui %sign3A_7 : i1 to i32
    %sign3A_9 = arith.constant 0 : i32
    %sign3A_10 = arith.cmpi slt, %add3A, %sign3A_9 : i32
    %sign3A_11 = arith.extui %sign3A_10 : i1 to i32
    %sign3A_12 = arith.subi %sign3A_8, %sign3A_11 : i32
    %sign3A_13 = arith.constant 0 : i32
    %sign3A_14 = arith.cmpi sgt, %jit3A, %sign3A_13 : i32
    %sign3A_15 = arith.extui %sign3A_14 : i1 to i32
    %sign3A_16 = arith.constant 0 : i32
    %sign3A_17 = arith.cmpi slt, %jit3A, %sign3A_16 : i32
    %sign3A_18 = arith.extui %sign3A_17 : i1 to i32
    %sign3A_19 = arith.subi %sign3A_15, %sign3A_18 : i32
    %ne3A = arith.cmpi ne, %sign3A_12, %sign3A_19 : i32
    %rem3A = arith.remsi %add3A, %jit3A : i32
    %ne3A_20 = arith.constant 0 : i32
    %ne3A_21 = arith.cmpi ne, %rem3A, %ne3A_20 : i32
    %and3A = arith.andi %ne3A, %ne3A_21 : i1
    %sub3A = arith.constant 1 : i32
    %sub3A_22 = arith.subi %div3A, %sub3A : i32
    %select_n3A = arith.select %and3A, %sub3A_22, %div3A : i32
    %mul3A_23 = arith.constant 4096 : i32
    %mul3A_24 = arith.muli %select_n3A, %mul3A_23 : i32
    %jit3A_25 = arith.constant 8 : i32
    %eq3A = arith.constant 0 : i32
    %eq3A_26 = arith.cmpi eq, %jit3A_25, %eq3A : i32
    %jit3A_27 = arith.constant 1 : i32
    %select_n3A_28 = arith.select %eq3A_26, %jit3A_27, %jit3A_25 : i32
    %rem3A_29 = arith.remsi %add3A, %select_n3A_28 : i32
    %ne3A_30 = arith.constant 0 : i32
    %ne3A_31 = arith.cmpi ne, %rem3A_29, %ne3A_30 : i32
    %lt3A = arith.constant 0 : i32
    %lt3A_32 = arith.cmpi slt, %rem3A_29, %lt3A : i32
    %lt3A_33 = arith.constant 0 : i32
    %lt3A_34 = arith.cmpi slt, %select_n3A_28, %lt3A_33 : i32
    %ne3A_35 = arith.xori %lt3A_32, %lt3A_34 : i1
    %and3A_36 = arith.andi %ne3A_35, %ne3A_31 : i1
    %add3A_37 = arith.addi %rem3A_29, %select_n3A_28 : i32
    %select_n3A_38 = arith.select %and3A_36, %add3A_37, %rem3A_29 : i32
    %mul3A_39 = arith.constant 2048 : i32
    %mul3A_40 = arith.muli %select_n3A_38, %mul3A_39 : i32
    %mul3A_41 = arith.constant 3328 : i32
    %mul3A_42 = arith.muli %add3A, %mul3A_41 : i32
    %dma_start3A = tpu.memref_slice %arg4[%mul3A_42] : memref<106496xi32, #tpu.memory_space<hbm>> -> memref<3328xi32, #tpu.memory_space<hbm>>
    %dma_start3A_43 = tpu.memref_slice %arg4[%mul3A_42] : memref<106496xi32, #tpu.memory_space<hbm>> -> memref<3328xi32, #tpu.memory_space<hbm>>
    tpu.enqueue_dma source(%dma_start3A_43 : memref<3328xi32, #tpu.memory_space<hbm>>) target(%arg12 : memref<3328xi32, #tpu.memory_space<vmem>>) target_semaphore(%arg15 : memref<!tpu.dma_semaphore, #tpu.memory_space<semaphore_mem>>)
    %dma_start3A_44 = tpu.memref_slice %arg2[%mul3A_24] : memref<16384xf32, #tpu.memory_space<hbm>> -> memref<4096xf32, #tpu.memory_space<hbm>>
    %dma_start3A_45 = tpu.memref_slice %arg2[%mul3A_24] : memref<16384xf32, #tpu.memory_space<hbm>> -> memref<4096xf32, #tpu.memory_space<hbm>>
    tpu.enqueue_dma source(%dma_start3A_45 : memref<4096xf32, #tpu.memory_space<hbm>>) target(%arg8 : memref<4096xf32, #tpu.memory_space<vmem>>) target_semaphore(%arg15 : memref<!tpu.dma_semaphore, #tpu.memory_space<semaphore_mem>>)
    %dma_start3A_46 = tpu.memref_slice %arg3[%mul3A_24] : memref<16384xf32, #tpu.memory_space<hbm>> -> memref<4096xf32, #tpu.memory_space<hbm>>
    %dma_start3A_47 = tpu.memref_slice %arg3[%mul3A_24] : memref<16384xf32, #tpu.memory_space<hbm>> -> memref<4096xf32, #tpu.memory_space<hbm>>
    tpu.enqueue_dma source(%dma_start3A_47 : memref<4096xf32, #tpu.memory_space<hbm>>) target(%arg9 : memref<4096xf32, #tpu.memory_space<vmem>>) target_semaphore(%arg15 : memref<!tpu.dma_semaphore, #tpu.memory_space<semaphore_mem>>)
    %dma_start3A_48 = tpu.memref_slice %arg2[%mul3A_40] : memref<16384xf32, #tpu.memory_space<hbm>> -> memref<2048xf32, #tpu.memory_space<hbm>>
    %dma_start3A_49 = tpu.memref_slice %arg2[%mul3A_40] : memref<16384xf32, #tpu.memory_space<hbm>> -> memref<2048xf32, #tpu.memory_space<hbm>>
    tpu.enqueue_dma source(%dma_start3A_49 : memref<2048xf32, #tpu.memory_space<hbm>>) target(%arg10 : memref<2048xf32, #tpu.memory_space<vmem>>) target_semaphore(%arg15 : memref<!tpu.dma_semaphore, #tpu.memory_space<semaphore_mem>>)
    %dma_start3A_50 = tpu.memref_slice %arg3[%mul3A_40] : memref<16384xf32, #tpu.memory_space<hbm>> -> memref<2048xf32, #tpu.memory_space<hbm>>
    %dma_start3A_51 = tpu.memref_slice %arg3[%mul3A_40] : memref<16384xf32, #tpu.memory_space<hbm>> -> memref<2048xf32, #tpu.memory_space<hbm>>
    tpu.enqueue_dma source(%dma_start3A_51 : memref<2048xf32, #tpu.memory_space<hbm>>) target(%arg11 : memref<2048xf32, #tpu.memory_space<vmem>>) target_semaphore(%arg15 : memref<!tpu.dma_semaphore, #tpu.memory_space<semaphore_mem>>)
    %dma_wait3A = tpu.memref_slice %arg4[%mul3A_42] : memref<106496xi32, #tpu.memory_space<hbm>> -> memref<3328xi32, #tpu.memory_space<hbm>>
    %dma_wait3A_52 = tpu.memref_slice %arg4[%mul3A_42] : memref<106496xi32, #tpu.memory_space<hbm>> -> memref<3328xi32, #tpu.memory_space<hbm>>
    tpu.wait_dma2 semaphore(%arg15 : memref<!tpu.dma_semaphore, #tpu.memory_space<semaphore_mem>>) src(%dma_wait3A_52 : memref<3328xi32, #tpu.memory_space<hbm>>) dst(%arg12 : memref<3328xi32, #tpu.memory_space<vmem>>)
    %dma_wait3A_53 = tpu.memref_slice %arg2[%mul3A_24] : memref<16384xf32, #tpu.memory_space<hbm>> -> memref<4096xf32, #tpu.memory_space<hbm>>
    %dma_wait3A_54 = tpu.memref_slice %arg2[%mul3A_24] : memref<16384xf32, #tpu.memory_space<hbm>> -> memref<4096xf32, #tpu.memory_space<hbm>>
    tpu.wait_dma2 semaphore(%arg15 : memref<!tpu.dma_semaphore, #tpu.memory_space<semaphore_mem>>) src(%dma_wait3A_54 : memref<4096xf32, #tpu.memory_space<hbm>>) dst(%arg8 : memref<4096xf32, #tpu.memory_space<vmem>>)
    %dma_wait3A_55 = tpu.memref_slice %arg3[%mul3A_24] : memref<16384xf32, #tpu.memory_space<hbm>> -> memref<4096xf32, #tpu.memory_space<hbm>>
    %dma_wait3A_56 = tpu.memref_slice %arg3[%mul3A_24] : memref<16384xf32, #tpu.memory_space<hbm>> -> memref<4096xf32, #tpu.memory_space<hbm>>
    tpu.wait_dma2 semaphore(%arg15 : memref<!tpu.dma_semaphore, #tpu.memory_space<semaphore_mem>>) src(%dma_wait3A_56 : memref<4096xf32, #tpu.memory_space<hbm>>) dst(%arg9 : memref<4096xf32, #tpu.memory_space<vmem>>)
    %dma_wait3A_57 = tpu.memref_slice %arg2[%mul3A_40] : memref<16384xf32, #tpu.memory_space<hbm>> -> memref<2048xf32, #tpu.memory_space<hbm>>
    %dma_wait3A_58 = tpu.memref_slice %arg2[%mul3A_40] : memref<16384xf32, #tpu.memory_space<hbm>> -> memref<2048xf32, #tpu.memory_space<hbm>>
    tpu.wait_dma2 semaphore(%arg15 : memref<!tpu.dma_semaphore, #tpu.memory_space<semaphore_mem>>) src(%dma_wait3A_58 : memref<2048xf32, #tpu.memory_space<hbm>>) dst(%arg10 : memref<2048xf32, #tpu.memory_space<vmem>>)
    %dma_wait3A_59 = tpu.memref_slice %arg3[%mul3A_40] : memref<16384xf32, #tpu.memory_space<hbm>> -> memref<2048xf32, #tpu.memory_space<hbm>>
    %dma_wait3A_60 = tpu.memref_slice %arg3[%mul3A_40] : memref<16384xf32, #tpu.memory_space<hbm>> -> memref<2048xf32, #tpu.memory_space<hbm>>
    tpu.wait_dma2 semaphore(%arg15 : memref<!tpu.dma_semaphore, #tpu.memory_space<semaphore_mem>>) src(%dma_wait3A_60 : memref<2048xf32, #tpu.memory_space<hbm>>) dst(%arg11 : memref<2048xf32, #tpu.memory_space<vmem>>)
    %broadcast_in_dim3A = arith.constant 0.000000e+00 : f32
    %broadcast_in_dim3A_61 = vector.broadcast %broadcast_in_dim3A : f32 to vector<16xf32>
    %parallel_loop3A = arith.constant 0 : i32
    %parallel_loop3A_62 = arith.constant 3328 : i32
    %parallel_loop3A_63 = arith.constant 64 : i32
    %parallel_loop3A_64:8 = scf.for %parallel_loop3A_75 = %parallel_loop3A to %parallel_loop3A_62 step %parallel_loop3A_63 iter_args(%parallel_loop3A_76 = %broadcast_in_dim3A_61, %parallel_loop3A_77 = %broadcast_in_dim3A_61, %parallel_loop3A_78 = %broadcast_in_dim3A_61, %parallel_loop3A_79 = %broadcast_in_dim3A_61, %parallel_loop3A_80 = %broadcast_in_dim3A_61, %parallel_loop3A_81 = %broadcast_in_dim3A_61, %parallel_loop3A_82 = %broadcast_in_dim3A_61, %parallel_loop3A_83 = %broadcast_in_dim3A_61) -> (vector<16xf32>, vector<16xf32>, vector<16xf32>, vector<16xf32>, vector<16xf32>, vector<16xf32>, vector<16xf32>, vector<16xf32>)  : i32 {
      %parallel_loop3A_84 = arith.constant 0 : i32
      %parallel_loop3A_85 = arith.addi %parallel_loop3A_75, %parallel_loop3A_84 : i32
      %parallel_loop3A_86 = arith.index_cast %parallel_loop3A_85 : i32 to index
      %parallel_loop3A_87 = tpu.vector_load %arg12[%parallel_loop3A_86] {strides = array<i32>} : memref<3328xi32, #tpu.memory_space<vmem>>, vector<16xi32>,
      %parallel_loop3A_88 = arith.constant 11 : i32
      %parallel_loop3A_89 = vector.broadcast %parallel_loop3A_88 : i32 to vector<16xi32>
      %parallel_loop3A_90 = arith.shrui %parallel_loop3A_87, %parallel_loop3A_89 : vector<16xi32>
      %parallel_loop3A_91 = vector.broadcast %squeeze3A : i32 to vector<16xi32>
      %parallel_loop3A_92 = arith.andi %parallel_loop3A_90, %parallel_loop3A_91 : vector<16xi32>
      %parallel_loop3A_93 = vector.broadcast %squeeze3A_5 : i32 to vector<16xi32>
      %parallel_loop3A_94 = arith.andi %parallel_loop3A_87, %parallel_loop3A_93 : vector<16xi32>
      %parallel_loop3A_95 = tpu.vector_load_idx %arg8[%parallel_loop3A_92] : memref<4096xf32, #tpu.memory_space<vmem>>[vector<16xi32>], vector<16xf32>,
      %parallel_loop3A_96 = tpu.vector_load_idx %arg10[%parallel_loop3A_94] : memref<2048xf32, #tpu.memory_space<vmem>>[vector<16xi32>], vector<16xf32>,
      %parallel_loop3A_97 = tpu.vector_load_idx %arg9[%parallel_loop3A_92] : memref<4096xf32, #tpu.memory_space<vmem>>[vector<16xi32>], vector<16xf32>,
      %parallel_loop3A_98 = tpu.vector_load_idx %arg11[%parallel_loop3A_94] : memref<2048xf32, #tpu.memory_space<vmem>>[vector<16xi32>], vector<16xf32>,
      %parallel_loop3A_99 = arith.subf %parallel_loop3A_95, %parallel_loop3A_96 : vector<16xf32>
      %parallel_loop3A_100 = arith.cmpf ogt, %parallel_loop3A_97, %parallel_loop3A_98 : vector<16xf32>
      %parallel_loop3A_101 = arith.constant 0.000000e+00 : f32
      %parallel_loop3A_102 = vector.broadcast %parallel_loop3A_101 : f32 to vector<16xf32>
      %parallel_loop3A_103 = arith.subf %parallel_loop3A_102, %parallel_loop3A_99 : vector<16xf32>
      %parallel_loop3A_104 = arith.select %parallel_loop3A_100, %parallel_loop3A_99, %parallel_loop3A_103 : vector<16xi1>, vector<16xf32>
      %parallel_loop3A_105 = arith.constant 1.000000e-01 : f32
      %parallel_loop3A_106 = vector.broadcast %parallel_loop3A_105 : f32 to vector<16xf32>
      %parallel_loop3A_107 = arith.subf %parallel_loop3A_106, %parallel_loop3A_104 : vector<16xf32>
      %parallel_loop3A_108 = arith.constant 0.000000e+00 : f32
      %parallel_loop3A_109 = vector.broadcast %parallel_loop3A_108 : f32 to vector<16xf32>
      %parallel_loop3A_110 = arith.maximumf %parallel_loop3A_107, %parallel_loop3A_109 : vector<16xf32>
      %parallel_loop3A_111 = arith.cmpf one, %parallel_loop3A_97, %parallel_loop3A_98 : vector<16xf32>
      %parallel_loop3A_112 = arith.constant 0 : i32
      %parallel_loop3A_113 = vector.broadcast %parallel_loop3A_112 : i32 to vector<16xi32>
      %parallel_loop3A_114 = arith.cmpi sge, %parallel_loop3A_87, %parallel_loop3A_113 : vector<16xi32>
      %parallel_loop3A_115 = arith.andi %parallel_loop3A_111, %parallel_loop3A_114 : vector<16xi1>
      %parallel_loop3A_116 = arith.constant 0.000000e+00 : f32
      %parallel_loop3A_117 = vector.broadcast %parallel_loop3A_116 : f32 to vector<16xf32>
      %parallel_loop3A_118 = arith.select %parallel_loop3A_115, %parallel_loop3A_110, %parallel_loop3A_117 : vector<16xi1>, vector<16xf32>
      %parallel_loop3A_119 = arith.addf %parallel_loop3A_76, %parallel_loop3A_118 : vector<16xf32>
      %parallel_loop3A_120 = arith.constant 1.000000e+00 : f32
      %parallel_loop3A_121 = arith.constant 0.000000e+00 : f32
      %parallel_loop3A_122 = vector.broadcast %parallel_loop3A_120 : f32 to vector<16xf32>
      %parallel_loop3A_123 = vector.broadcast %parallel_loop3A_121 : f32 to vector<16xf32>
      %parallel_loop3A_124 = arith.select %parallel_loop3A_115, %parallel_loop3A_122, %parallel_loop3A_123 : vector<16xi1>, vector<16xf32>
      %parallel_loop3A_125 = arith.addf %parallel_loop3A_77, %parallel_loop3A_124 : vector<16xf32>
      %parallel_loop3A_126 = arith.constant 16 : i32
      %parallel_loop3A_127 = arith.addi %parallel_loop3A_75, %parallel_loop3A_126 : i32
      %parallel_loop3A_128 = arith.index_cast %parallel_loop3A_127 : i32 to index
      %parallel_loop3A_129 = tpu.vector_load %arg12[%parallel_loop3A_128] {strides = array<i32>} : memref<3328xi32, #tpu.memory_space<vmem>>, vector<16xi32>,
      %parallel_loop3A_130 = arith.constant 11 : i32
      %parallel_loop3A_131 = vector.broadcast %parallel_loop3A_130 : i32 to vector<16xi32>
      %parallel_loop3A_132 = arith.shrui %parallel_loop3A_129, %parallel_loop3A_131 : vector<16xi32>
      %parallel_loop3A_133 = vector.broadcast %squeeze3A : i32 to vector<16xi32>
      %parallel_loop3A_134 = arith.andi %parallel_loop3A_132, %parallel_loop3A_133 : vector<16xi32>
      %parallel_loop3A_135 = vector.broadcast %squeeze3A_5 : i32 to vector<16xi32>
      %parallel_loop3A_136 = arith.andi %parallel_loop3A_129, %parallel_loop3A_135 : vector<16xi32>
      %parallel_loop3A_137 = tpu.vector_load_idx %arg8[%parallel_loop3A_134] : memref<4096xf32, #tpu.memory_space<vmem>>[vector<16xi32>], vector<16xf32>,
      %parallel_loop3A_138 = tpu.vector_load_idx %arg10[%parallel_loop3A_136] : memref<2048xf32, #tpu.memory_space<vmem>>[vector<16xi32>], vector<16xf32>,
      %parallel_loop3A_139 = tpu.vector_load_idx %arg9[%parallel_loop3A_134] : memref<4096xf32, #tpu.memory_space<vmem>>[vector<16xi32>], vector<16xf32>,
      %parallel_loop3A_140 = tpu.vector_load_idx %arg11[%parallel_loop3A_136] : memref<2048xf32, #tpu.memory_space<vmem>>[vector<16xi32>], vector<16xf32>,
      %parallel_loop3A_141 = arith.subf %parallel_loop3A_137, %parallel_loop3A_138 : vector<16xf32>
      %parallel_loop3A_142 = arith.cmpf ogt, %parallel_loop3A_139, %parallel_loop3A_140 : vector<16xf32>
      %parallel_loop3A_143 = arith.constant 0.000000e+00 : f32
      %parallel_loop3A_144 = vector.broadcast %parallel_loop3A_143 : f32 to vector<16xf32>
      %parallel_loop3A_145 = arith.subf %parallel_loop3A_144, %parallel_loop3A_141 : vector<16xf32>
      %parallel_loop3A_146 = arith.select %parallel_loop3A_142, %parallel_loop3A_141, %parallel_loop3A_145 : vector<16xi1>, vector<16xf32>
      %parallel_loop3A_147 = arith.constant 1.000000e-01 : f32
      %parallel_loop3A_148 = vector.broadcast %parallel_loop3A_147 : f32 to vector<16xf32>
      %parallel_loop3A_149 = arith.subf %parallel_loop3A_148, %parallel_loop3A_146 : vector<16xf32>
      %parallel_loop3A_150 = arith.constant 0.000000e+00 : f32
      %parallel_loop3A_151 = vector.broadcast %parallel_loop3A_150 : f32 to vector<16xf32>
      %parallel_loop3A_152 = arith.maximumf %parallel_loop3A_149, %parallel_loop3A_151 : vector<16xf32>
      %parallel_loop3A_153 = arith.cmpf one, %parallel_loop3A_139, %parallel_loop3A_140 : vector<16xf32>
      %parallel_loop3A_154 = arith.constant 0 : i32
      %parallel_loop3A_155 = vector.broadcast %parallel_loop3A_154 : i32 to vector<16xi32>
      %parallel_loop3A_156 = arith.cmpi sge, %parallel_loop3A_129, %parallel_loop3A_155 : vector<16xi32>
      %parallel_loop3A_157 = arith.andi %parallel_loop3A_153, %parallel_loop3A_156 : vector<16xi1>
      %parallel_loop3A_158 = arith.constant 0.000000e+00 : f32
      %parallel_loop3A_159 = vector.broadcast %parallel_loop3A_158 : f32 to vector<16xf32>
      %parallel_loop3A_160 = arith.select %parallel_loop3A_157, %parallel_loop3A_152, %parallel_loop3A_159 : vector<16xi1>, vector<16xf32>
      %parallel_loop3A_161 = arith.addf %parallel_loop3A_78, %parallel_loop3A_160 : vector<16xf32>
      %parallel_loop3A_162 = arith.constant 1.000000e+00 : f32
      %parallel_loop3A_163 = arith.constant 0.000000e+00 : f32
      %parallel_loop3A_164 = vector.broadcast %parallel_loop3A_162 : f32 to vector<16xf32>
      %parallel_loop3A_165 = vector.broadcast %parallel_loop3A_163 : f32 to vector<16xf32>
      %parallel_loop3A_166 = arith.select %parallel_loop3A_157, %parallel_loop3A_164, %parallel_loop3A_165 : vector<16xi1>, vector<16xf32>
      %parallel_loop3A_167 = arith.addf %parallel_loop3A_79, %parallel_loop3A_166 : vector<16xf32>
      %parallel_loop3A_168 = arith.constant 32 : i32
      %parallel_loop3A_169 = arith.addi %parallel_loop3A_75, %parallel_loop3A_168 : i32
      %parallel_loop3A_170 = arith.index_cast %parallel_loop3A_169 : i32 to index
      %parallel_loop3A_171 = tpu.vector_load %arg12[%parallel_loop3A_170] {strides = array<i32>} : memref<3328xi32, #tpu.memory_space<vmem>>, vector<16xi32>,
      %parallel_loop3A_172 = arith.constant 11 : i32
      %parallel_loop3A_173 = vector.broadcast %parallel_loop3A_172 : i32 to vector<16xi32>
      %parallel_loop3A_174 = arith.shrui %parallel_loop3A_171, %parallel_loop3A_173 : vector<16xi32>
      %parallel_loop3A_175 = vector.broadcast %squeeze3A : i32 to vector<16xi32>
      %parallel_loop3A_176 = arith.andi %parallel_loop3A_174, %parallel_loop3A_175 : vector<16xi32>
      %parallel_loop3A_177 = vector.broadcast %squeeze3A_5 : i32 to vector<16xi32>
      %parallel_loop3A_178 = arith.andi %parallel_loop3A_171, %parallel_loop3A_177 : vector<16xi32>
      %parallel_loop3A_179 = tpu.vector_load_idx %arg8[%parallel_loop3A_176] : memref<4096xf32, #tpu.memory_space<vmem>>[vector<16xi32>], vector<16xf32>,
      %parallel_loop3A_180 = tpu.vector_load_idx %arg10[%parallel_loop3A_178] : memref<2048xf32, #tpu.memory_space<vmem>>[vector<16xi32>], vector<16xf32>,
      %parallel_loop3A_181 = tpu.vector_load_idx %arg9[%parallel_loop3A_176] : memref<4096xf32, #tpu.memory_space<vmem>>[vector<16xi32>], vector<16xf32>,
      %parallel_loop3A_182 = tpu.vector_load_idx %arg11[%parallel_loop3A_178] : memref<2048xf32, #tpu.memory_space<vmem>>[vector<16xi32>], vector<16xf32>,
      %parallel_loop3A_183 = arith.subf %parallel_loop3A_179, %parallel_loop3A_180 : vector<16xf32>
      %parallel_loop3A_184 = arith.cmpf ogt, %parallel_loop3A_181, %parallel_loop3A_182 : vector<16xf32>
      %parallel_loop3A_185 = arith.constant 0.000000e+00 : f32
      %parallel_loop3A_186 = vector.broadcast %parallel_loop3A_185 : f32 to vector<16xf32>
      %parallel_loop3A_187 = arith.subf %parallel_loop3A_186, %parallel_loop3A_183 : vector<16xf32>
      %parallel_loop3A_188 = arith.select %parallel_loop3A_184, %parallel_loop3A_183, %parallel_loop3A_187 : vector<16xi1>, vector<16xf32>
      %parallel_loop3A_189 = arith.constant 1.000000e-01 : f32
      %parallel_loop3A_190 = vector.broadcast %parallel_loop3A_189 : f32 to vector<16xf32>
      %parallel_loop3A_191 = arith.subf %parallel_loop3A_190, %parallel_loop3A_188 : vector<16xf32>
      %parallel_loop3A_192 = arith.constant 0.000000e+00 : f32
      %parallel_loop3A_193 = vector.broadcast %parallel_loop3A_192 : f32 to vector<16xf32>
      %parallel_loop3A_194 = arith.maximumf %parallel_loop3A_191, %parallel_loop3A_193 : vector<16xf32>
      %parallel_loop3A_195 = arith.cmpf one, %parallel_loop3A_181, %parallel_loop3A_182 : vector<16xf32>
      %parallel_loop3A_196 = arith.constant 0 : i32
      %parallel_loop3A_197 = vector.broadcast %parallel_loop3A_196 : i32 to vector<16xi32>
      %parallel_loop3A_198 = arith.cmpi sge, %parallel_loop3A_171, %parallel_loop3A_197 : vector<16xi32>
      %parallel_loop3A_199 = arith.andi %parallel_loop3A_195, %parallel_loop3A_198 : vector<16xi1>
      %parallel_loop3A_200 = arith.constant 0.000000e+00 : f32
      %parallel_loop3A_201 = vector.broadcast %parallel_loop3A_200 : f32 to vector<16xf32>
      %parallel_loop3A_202 = arith.select %parallel_loop3A_199, %parallel_loop3A_194, %parallel_loop3A_201 : vector<16xi1>, vector<16xf32>
      %parallel_loop3A_203 = arith.addf %parallel_loop3A_80, %parallel_loop3A_202 : vector<16xf32>
      %parallel_loop3A_204 = arith.constant 1.000000e+00 : f32
      %parallel_loop3A_205 = arith.constant 0.000000e+00 : f32
      %parallel_loop3A_206 = vector.broadcast %parallel_loop3A_204 : f32 to vector<16xf32>
      %parallel_loop3A_207 = vector.broadcast %parallel_loop3A_205 : f32 to vector<16xf32>
      %parallel_loop3A_208 = arith.select %parallel_loop3A_199, %parallel_loop3A_206, %parallel_loop3A_207 : vector<16xi1>, vector<16xf32>
      %parallel_loop3A_209 = arith.addf %parallel_loop3A_81, %parallel_loop3A_208 : vector<16xf32>
      %parallel_loop3A_210 = arith.constant 48 : i32
      %parallel_loop3A_211 = arith.addi %parallel_loop3A_75, %parallel_loop3A_210 : i32
      %parallel_loop3A_212 = arith.index_cast %parallel_loop3A_211 : i32 to index
      %parallel_loop3A_213 = tpu.vector_load %arg12[%parallel_loop3A_212] {strides = array<i32>} : memref<3328xi32, #tpu.memory_space<vmem>>, vector<16xi32>,
      %parallel_loop3A_214 = arith.constant 11 : i32
      %parallel_loop3A_215 = vector.broadcast %parallel_loop3A_214 : i32 to vector<16xi32>
      %parallel_loop3A_216 = arith.shrui %parallel_loop3A_213, %parallel_loop3A_215 : vector<16xi32>
      %parallel_loop3A_217 = vector.broadcast %squeeze3A : i32 to vector<16xi32>
      %parallel_loop3A_218 = arith.andi %parallel_loop3A_216, %parallel_loop3A_217 : vector<16xi32>
      %parallel_loop3A_219 = vector.broadcast %squeeze3A_5 : i32 to vector<16xi32>
      %parallel_loop3A_220 = arith.andi %parallel_loop3A_213, %parallel_loop3A_219 : vector<16xi32>
      %parallel_loop3A_221 = tpu.vector_load_idx %arg8[%parallel_loop3A_218] : memref<4096xf32, #tpu.memory_space<vmem>>[vector<16xi32>], vector<16xf32>,
      %parallel_loop3A_222 = tpu.vector_load_idx %arg10[%parallel_loop3A_220] : memref<2048xf32, #tpu.memory_space<vmem>>[vector<16xi32>], vector<16xf32>,
      %parallel_loop3A_223 = tpu.vector_load_idx %arg9[%parallel_loop3A_218] : memref<4096xf32, #tpu.memory_space<vmem>>[vector<16xi32>], vector<16xf32>,
      %parallel_loop3A_224 = tpu.vector_load_idx %arg11[%parallel_loop3A_220] : memref<2048xf32, #tpu.memory_space<vmem>>[vector<16xi32>], vector<16xf32>,
      %parallel_loop3A_225 = arith.subf %parallel_loop3A_221, %parallel_loop3A_222 : vector<16xf32>
      %parallel_loop3A_226 = arith.cmpf ogt, %parallel_loop3A_223, %parallel_loop3A_224 : vector<16xf32>
      %parallel_loop3A_227 = arith.constant 0.000000e+00 : f32
      %parallel_loop3A_228 = vector.broadcast %parallel_loop3A_227 : f32 to vector<16xf32>
      %parallel_loop3A_229 = arith.subf %parallel_loop3A_228, %parallel_loop3A_225 : vector<16xf32>
      %parallel_loop3A_230 = arith.select %parallel_loop3A_226, %parallel_loop3A_225, %parallel_loop3A_229 : vector<16xi1>, vector<16xf32>
      %parallel_loop3A_231 = arith.constant 1.000000e-01 : f32
      %parallel_loop3A_232 = vector.broadcast %parallel_loop3A_231 : f32 to vector<16xf32>
      %parallel_loop3A_233 = arith.subf %parallel_loop3A_232, %parallel_loop3A_230 : vector<16xf32>
      %parallel_loop3A_234 = arith.constant 0.000000e+00 : f32
      %parallel_loop3A_235 = vector.broadcast %parallel_loop3A_234 : f32 to vector<16xf32>
      %parallel_loop3A_236 = arith.maximumf %parallel_loop3A_233, %parallel_loop3A_235 : vector<16xf32>
      %parallel_loop3A_237 = arith.cmpf one, %parallel_loop3A_223, %parallel_loop3A_224 : vector<16xf32>
      %parallel_loop3A_238 = arith.constant 0 : i32
      %parallel_loop3A_239 = vector.broadcast %parallel_loop3A_238 : i32 to vector<16xi32>
      %parallel_loop3A_240 = arith.cmpi sge, %parallel_loop3A_213, %parallel_loop3A_239 : vector<16xi32>
      %parallel_loop3A_241 = arith.andi %parallel_loop3A_237, %parallel_loop3A_240 : vector<16xi1>
      %parallel_loop3A_242 = arith.constant 0.000000e+00 : f32
      %parallel_loop3A_243 = vector.broadcast %parallel_loop3A_242 : f32 to vector<16xf32>
      %parallel_loop3A_244 = arith.select %parallel_loop3A_241, %parallel_loop3A_236, %parallel_loop3A_243 : vector<16xi1>, vector<16xf32>
      %parallel_loop3A_245 = arith.addf %parallel_loop3A_82, %parallel_loop3A_244 : vector<16xf32>
      %parallel_loop3A_246 = arith.constant 1.000000e+00 : f32
      %parallel_loop3A_247 = arith.constant 0.000000e+00 : f32
      %parallel_loop3A_248 = vector.broadcast %parallel_loop3A_246 : f32 to vector<16xf32>
      %parallel_loop3A_249 = vector.broadcast %parallel_loop3A_247 : f32 to vector<16xf32>
      %parallel_loop3A_250 = arith.select %parallel_loop3A_241, %parallel_loop3A_248, %parallel_loop3A_249 : vector<16xi1>, vector<16xf32>
      %parallel_loop3A_251 = arith.addf %parallel_loop3A_83, %parallel_loop3A_250 : vector<16xf32>
      scf.yield %parallel_loop3A_119, %parallel_loop3A_125, %parallel_loop3A_161, %parallel_loop3A_167, %parallel_loop3A_203, %parallel_loop3A_209, %parallel_loop3A_245, %parallel_loop3A_251 : vector<16xf32>, vector<16xf32>, vector<16xf32>, vector<16xf32>, vector<16xf32>, vector<16xf32>, vector<16xf32>, vector<16xf32>
    } {sc.loop_unroll_factor = 2 : i64, sc.parallel_access}
    %add3A_65 = arith.addf %parallel_loop3A_64#0, %parallel_loop3A_64#2 : vector<16xf32>
    %add3A_66 = arith.addf %add3A_65, %parallel_loop3A_64#4 : vector<16xf32>
    %add3A_67 = arith.addf %add3A_66, %parallel_loop3A_64#6 : vector<16xf32>
    %add3A_68 = arith.addf %parallel_loop3A_64#1, %parallel_loop3A_64#3 : vector<16xf32>
    %add3A_69 = arith.addf %add3A_68, %parallel_loop3A_64#5 : vector<16xf32>
    %add3A_70 = arith.addf %add3A_69, %parallel_loop3A_64#7 : vector<16xf32>
    %swap3A = arith.constant 0 : index
    %swap3A_71 = tpu.vector_load %arg13[%swap3A] {strides = array<i32>} : memref<16xf32, #tpu.memory_space<vmem>>, vector<16xf32>,
    tpu.vector_store %arg13[%swap3A], %add3A_67 {strides = array<i32>} : memref<16xf32, #tpu.memory_space<vmem>>, vector<16xf32>,
    %swap3A_72 = arith.constant 0 : index
    %swap3A_73 = tpu.vector_load %arg14[%swap3A_72] {strides = array<i32>} : memref<16xf32, #tpu.memory_space<vmem>>, vector<16xf32>,
    tpu.vector_store %arg14[%swap3A_72], %add3A_70 {strides = array<i32>} : memref<16xf32, #tpu.memory_space<vmem>>, vector<16xf32>,
    %run_scoped3A = arith.constant 0 : i32
    "tpu.region"() ({
      %run_scoped3A_75 = tpu.sem_alloc : memref<!tpu.dma_semaphore, #tpu.memory_space<semaphore_mem>>
      %dma_start3A_76 = arith.constant 0 : i32
      %dma_start3A_77 = tpu.memref_slice %arg7[%run_scoped3A, %add3A, %dma_start3A_76] : memref<2x32x16xf32, #tpu.memory_space<hbm>> -> memref<1x1x16xf32, #tpu.memory_space<hbm>>
      %dma_start3A_78 = tpu.memref_squeeze %dma_start3A_77 : memref<1x1x16xf32, #tpu.memory_space<hbm>> -> memref<16xf32, #tpu.memory_space<hbm>>
      %dma_start3A_79 = arith.constant 0 : i32
      %dma_start3A_80 = tpu.memref_slice %arg7[%run_scoped3A, %add3A, %dma_start3A_79] : memref<2x32x16xf32, #tpu.memory_space<hbm>> -> memref<1x1x16xf32, #tpu.memory_space<hbm>>
      %dma_start3A_81 = tpu.memref_squeeze %dma_start3A_80 : memref<1x1x16xf32, #tpu.memory_space<hbm>> -> memref<16xf32, #tpu.memory_space<hbm>>
      tpu.enqueue_dma source(%arg13 : memref<16xf32, #tpu.memory_space<vmem>>) target(%dma_start3A_81 : memref<16xf32, #tpu.memory_space<hbm>>) target_semaphore(%run_scoped3A_75 : memref<!tpu.dma_semaphore, #tpu.memory_space<semaphore_mem>>)
      %dma_wait3A_82 = arith.constant 0 : i32
      %dma_wait3A_83 = tpu.memref_slice %arg7[%run_scoped3A, %add3A, %dma_wait3A_82] : memref<2x32x16xf32, #tpu.memory_space<hbm>> -> memref<1x1x16xf32, #tpu.memory_space<hbm>>
      %dma_wait3A_84 = tpu.memref_squeeze %dma_wait3A_83 : memref<1x1x16xf32, #tpu.memory_space<hbm>> -> memref<16xf32, #tpu.memory_space<hbm>>
      %dma_wait3A_85 = arith.constant 0 : i32
      %dma_wait3A_86 = tpu.memref_slice %arg7[%run_scoped3A, %add3A, %dma_wait3A_85] : memref<2x32x16xf32, #tpu.memory_space<hbm>> -> memref<1x1x16xf32, #tpu.memory_space<hbm>>
      %dma_wait3A_87 = tpu.memref_squeeze %dma_wait3A_86 : memref<1x1x16xf32, #tpu.memory_space<hbm>> -> memref<16xf32, #tpu.memory_space<hbm>>
      tpu.wait_dma2 semaphore(%run_scoped3A_75 : memref<!tpu.dma_semaphore, #tpu.memory_space<semaphore_mem>>) src(%arg13 : memref<16xf32, #tpu.memory_space<vmem>>) dst(%dma_wait3A_87 : memref<16xf32, #tpu.memory_space<hbm>>)
      tpu.yield
    }) : () -> ()
    %run_scoped3A_74 = arith.constant 1 : i32
    "tpu.region"() ({
      %run_scoped3A_75 = tpu.sem_alloc : memref<!tpu.dma_semaphore, #tpu.memory_space<semaphore_mem>>
      %dma_start3A_76 = arith.constant 0 : i32
      %dma_start3A_77 = tpu.memref_slice %arg7[%run_scoped3A_74, %add3A, %dma_start3A_76] : memref<2x32x16xf32, #tpu.memory_space<hbm>> -> memref<1x1x16xf32, #tpu.memory_space<hbm>>
      %dma_start3A_78 = tpu.memref_squeeze %dma_start3A_77 : memref<1x1x16xf32, #tpu.memory_space<hbm>> -> memref<16xf32, #tpu.memory_space<hbm>>
      %dma_start3A_79 = arith.constant 0 : i32
      %dma_start3A_80 = tpu.memref_slice %arg7[%run_scoped3A_74, %add3A, %dma_start3A_79] : memref<2x32x16xf32, #tpu.memory_space<hbm>> -> memref<1x1x16xf32, #tpu.memory_space<hbm>>
      %dma_start3A_81 = tpu.memref_squeeze %dma_start3A_80 : memref<1x1x16xf32, #tpu.memory_space<hbm>> -> memref<16xf32, #tpu.memory_space<hbm>>
      tpu.enqueue_dma source(%arg14 : memref<16xf32, #tpu.memory_space<vmem>>) target(%dma_start3A_81 : memref<16xf32, #tpu.memory_space<hbm>>) target_semaphore(%run_scoped3A_75 : memref<!tpu.dma_semaphore, #tpu.memory_space<semaphore_mem>>)
      %dma_wait3A_82 = arith.constant 0 : i32
      %dma_wait3A_83 = tpu.memref_slice %arg7[%run_scoped3A_74, %add3A, %dma_wait3A_82] : memref<2x32x16xf32, #tpu.memory_space<hbm>> -> memref<1x1x16xf32, #tpu.memory_space<hbm>>
      %dma_wait3A_84 = tpu.memref_squeeze %dma_wait3A_83 : memref<1x1x16xf32, #tpu.memory_space<hbm>> -> memref<16xf32, #tpu.memory_space<hbm>>
      %dma_wait3A_85 = arith.constant 0 : i32
      %dma_wait3A_86 = tpu.memref_slice %arg7[%run_scoped3A_74, %add3A, %dma_wait3A_85] : memref<2x32x16xf32, #tpu.memory_space<hbm>> -> memref<1x1x16xf32, #tpu.memory_space<hbm>>
      %dma_wait3A_87 = tpu.memref_squeeze %dma_wait3A_86 : memref<1x1x16xf32, #tpu.memory_space<hbm>> -> memref<16xf32, #tpu.memory_space<hbm>>
      tpu.wait_dma2 semaphore(%run_scoped3A_75 : memref<!tpu.dma_semaphore, #tpu.memory_space<semaphore_mem>>) src(%arg14 : memref<16xf32, #tpu.memory_space<vmem>>) dst(%dma_wait3A_87 : memref<16xf32, #tpu.memory_space<hbm>>)
      tpu.yield
    }) : () -> ()
    return
  }
}

</mosaic_0001>

<sc_bundles>
// kernel: kernel.3.cloned.1.call-start
scs
__scs_entry_jumppad:
0x0: {  	(pc) =	sbr.rel $0x88, $3  }
0x1: {  	(tag) =	ssettag $0x0;
	lr =	simm.s32 $0x1  }
0x2: {  	[smem:$0x3F9F] =	sst lr;
	_ =	strace $0xD0000000  }
0x3: {  	_ = 	snop  }
0x4: {  	_ = 	snop  }
0x5: {  	_ = 	snop  }
0x6: {  	_ = 	snop  }
0x7: {  	_ = 	snop  }
__scs_overlays_trampoline_lowered:
0x8: {  	[smem:$0x3FAE] =	sst s0  }
0x9: {  	[smem:$0x3FAF] =	sst s1  }
0xa: {  	[smem:$0x3FB0] =	sst s2  }
0xb: {  	[smem:$0x3FB1] =	sst s3  }
0xc: {  	[smem:$0x3FB2] =	sst s4  }
0xd: {  	[smem:$0x3FB3] =	sst s5  }
0xe: {  	[smem:$0x3FB4] =	sst s6  }
0xf: {  	[smem:$0x3FB5] =	sst s7  }
0x10: {  	[smem:$0x3FB6] =	sst s8  }
0x11: {  	[smem:$0x3FB7] =	sst s9;
	s0 =	simm.s32 @!p0 $0x0  }
0x12: {  	s1 =	sld [smem:$0x3F9D];
	s0 =	simm.s32 @p0 $0x1  }
0x13: {  	[smem:$0x3FB8] =	sst s0;
	s0 =	simm.s32 @!p1 $0x0  }
0x14: {  	s2 =	sld [smem:$0x3F9C];
	s0 =	simm.s32 @p1 $0x1  }
0x15: {  	[smem:$0x3FB9] =	sst s0;
	s0 =	simm.s32 @!p2 $0x0  }
0x16: {  	s3 =	sld [smem:$0x3FDB];
	s0 =	simm.s32 @p2 $0x1  }
0x17: {  	s4 =	simm.s32 $0x1BF5;
	[smem:$0x3FBB] =	sst s0  }
0x18: {  	s0 =	sld [smem:$0x3F9E];
	_ =	swait.ge [sflag:s4], $0x0  }
0x19: {  	s7 =	sld [smem:$0x3F9F]  }
0x1a: {  	s8 =	sadd.s32 $0xFFFFE003, lr  }
0x1b: {  	s9 =	sadd.s32 $0xFFFFFEF7, lr;
	s5 =	simm.s32 $0xFFFFFFFF;
	p2 =	slt.u32 s8, $0xFFFFF086  }
0x1c: {  	p1 =	slt.u32 s9, $0xF7A;
	s5 =	simm.s32 @!p2 $0x0  }
0x1d: {  	s5 =	simm.s32 @p1 $0x1;
	p0 =	seq.s32 s7, s2  }
0x1e: {  	s7 =	smul.u32 @!p0 $0xF7A, s2;
	p2 =	seq.s32 @!p0 s5, $0x0  }
0x1f: {  	s9 =	smul.u32 $0xF7A, s1;
	s8 =	simm.s32 @!p0 $0x1BF5;
	p2 =	por !p2, p0  }
0x20: {  	[sflag:s8] =	ssyncset.s32 @!p0 $0xFFFFF086;
	s6 =	sadd.s32 @!p0 s3, s7;
	s7 =	simm.s32 @!p0 $0x108  }
0x21: {  	s3 =	sadd.s32 s3, s9;
	s6 =	sadd.s32 @!p0 $0x88, s6;
	s7 =	simm.s32 @p2 $0x1082  }
0x22: {  	[simem:s7], [sflag:s8] =	dma.local @!p0 [hbm:s6], $0xF7A  }
0x23: {  	s9 =	sor.u32 $0xD0000000, s2;
	s6 =	simm.s32 $0x108;
	_ =	swait.ge @!p0 [sflag:s8], $0x0  }
0x24: {  	s3 =	sadd.s32 $0x88, s3;
	s6 =	simm.s32 @!p1 $0x1082;
	[sflag:s4] =	ssyncset.s32 $0xFFFFF086  }
0x25: {  	[simem:s6], [sflag:s4] =	dma.local [hbm:s3], $0xF7A  }
0x26: {  	[smem:$0x3F9F] =	sst s1;
	(tag) =	ssettag s2;
	_ =	strace s9  }
0x27: {  	s1 =	sld [smem:$0x3FAF]  }
0x28: {  	s2 =	sld [smem:$0x3FB0]  }
0x29: {  	s4 =	sld [smem:$0x3FB2]  }
0x2a: {  	p0 =	seq.s32 s5, $0x0;
	s5 =	sld [smem:$0x3FB3]  }
0x2b: {  	s6 =	sld [smem:$0x3FB4]  }
0x2c: {  	s7 =	sld [smem:$0x3FB5]  }
0x2d: {  	s3 =	simm.s32 $0x108;
	s8 =	sld [smem:$0x3FB6]  }
0x2e: {  	s3 =	simm.s32 @!p0 $0x1082;
	s9 =	sld [smem:$0x3FB7]  }
0x2f: {  	lr =	sadd.s32 s0, s3;
	s0 =	sld [smem:$0x3FAE]  }
0x30: {  	s3 =	sld [smem:$0x3FB1]  }
0x31: {  	[smem:$0x3FBA] =	sst s10  }
0x32: {  	s10 =	sld [smem:$0x3FB8];
	_ =	sdelay $0x3  }
0x33: {  	p0 =	seq.s32 s10, $0x1;
	s10 =	sld [smem:$0x3FBA];
	_ =	sdelay $0x3  }
0x34: {  	[smem:$0x3FBA] =	sst s10  }
0x35: {  	s10 =	sld [smem:$0x3FB9];
	_ =	sdelay $0x3  }
0x36: {  	p1 =	seq.s32 s10, $0x1;
	s10 =	sld [smem:$0x3FBA];
	_ =	sdelay $0x3  }
0x37: {  	[smem:$0x3FBA] =	sst s10  }
0x38: {  	s10 =	sld [smem:$0x3FBB]  }
0x39: {  	_ = 	snop;
	(pc) =	sbr.ind lr, $3  }
0x3a: {  	_ = 	snop  }
0x3b: {  	_ = 	snop  }
0x3c: {  	p2 =	seq.s32 s10, $0x1;
	s10 =	sld [smem:$0x3FBA]  }
0x3d: {  	_ =	shalt  }
0x3e: {  	_ =	shalt  }
0x3f: {  	_ =	shalt  }
0x40: {  	_ =	shalt  }
0x41: {  	_ =	shalt  }
0x42: {  	_ =	shalt  }
0x43: {  	_ =	shalt  }
0x44: {  	_ =	shalt  }
0x45: {  	_ =	shalt  }
0x46: {  	_ =	shalt  }
0x47: {  	_ =	shalt  }
0x48: {  	_ =	shalt  }
0x49: {  	_ =	shalt  }
0x4a: {  	_ =	shalt  }
0x4b: {  	_ =	shalt  }
0x4c: {  	_ =	shalt  }
0x4d: {  	_ =	shalt  }
0x4e: {  	_ =	shalt  }
0x4f: {  	_ =	shalt  }
0x50: {  	_ =	shalt  }
0x51: {  	_ =	shalt  }
0x52: {  	_ =	shalt  }
0x53: {  	_ =	shalt  }
0x54: {  	_ =	shalt  }
0x55: {  	_ =	shalt  }
0x56: {  	_ =	shalt  }
0x57: {  	_ =	shalt  }
0x58: {  	_ =	shalt  }
0x59: {  	_ =	shalt  }
0x5a: {  	_ =	shalt  }
0x5b: {  	_ =	shalt  }
0x5c: {  	_ =	shalt  }
0x5d: {  	_ =	shalt  }
0x5e: {  	_ =	shalt  }
0x5f: {  	_ =	shalt  }
0x60: {  	_ =	shalt  }
0x61: {  	_ =	shalt  }
0x62: {  	_ =	shalt  }
0x63: {  	_ =	shalt  }
0x64: {  	_ =	shalt  }
0x65: {  	_ =	shalt  }
0x66: {  	_ =	shalt  }
0x67: {  	_ =	shalt  }
0x68: {  	_ =	shalt  }
0x69: {  	_ =	shalt  }
0x6a: {  	_ =	shalt  }
0x6b: {  	_ =	shalt  }
0x6c: {  	_ =	shalt  }
0x6d: {  	_ =	shalt  }
0x6e: {  	_ =	shalt  }
0x6f: {  	_ =	shalt  }
0x70: {  	_ =	shalt  }
0x71: {  	_ =	shalt  }
0x72: {  	_ =	shalt  }
0x73: {  	_ =	shalt  }
0x74: {  	_ =	shalt  }
0x75: {  	_ =	shalt  }
0x76: {  	_ =	shalt  }
0x77: {  	_ =	shalt  }
0x78: {  	_ =	shalt  }
0x79: {  	_ =	shalt  }
0x7a: {  	_ =	shalt  }
0x7b: {  	_ =	shalt  }
0x7c: {  	_ =	shalt  }
0x7d: {  	_ =	shalt  }
0x7e: {  	_ =	shalt  }
0x7f: {  	_ =	shalt  }
0x80: {  	_ =	shalt  }
0x81: {  	_ =	shalt  }
0x82: {  	_ =	shalt  }
0x83: {  	_ =	shalt  }
0x84: {  	_ =	shalt  }
0x85: {  	_ =	shalt  }
0x86: {  	_ =	shalt  }
0x87: {  	_ =	shalt  }
.Lfunc_end0:
.L_simem_size_0:
called_computation_lowered:
.L_overlay_start_0:
0x88: {  	s2 =	sld [smem:$0x3FD9]  }
0x89: {  	s3 =	sld [smem:$0x3FFE];
	_ =	sdelay $0x1  }
0x8a: {  	s1 =	srdreg.scid  }
0x8b: {  	s0 =	sand.u32 $0x1, s1  }
0x8c: {  	s17 =	sshll.u32 s0, $0xA;
	s2 =	sadd.s32 s3, s2  }
0x8d: {  	s2 =	sadd.s32 s2, s17  }
0x8e: {  	[smem:$0x3FC6] =	sst s2  }
0x8f: {  	_ = 	snop  }
0x90: {  	s2 =	sld [smem:$0x3FC9]  }
0x91: {  	s18 =	sld [smem:$0x3FC8]  }
0x92: {  	s4 =	sld [smem:$0x3FD0];
	(tm) =	ssettm $0x1  }
0x93: {  	s5 =	sld [smem:$0x3FFB];
	_ =	sdelay $0x3  }
0x94: {  	_ =	strace s5  }
0x95: {  	s5 =	sld [smem:$0x3FFC];
	_ =	sdelay $0x3  }
0x96: {  	_ =	strace s5  }
0x97: {  	s5 =	sld [smem:$0x3FFD];
	_ =	sdelay $0x3  }
0x98: {  	_ =	strace s5  }
0x99: {  	_ =	strace $0x8FFFFFFF  }
0x9a: {  	s19 =	sld [smem:$0x3FDB];
	_ =	sdelay $0x1  }
0x9b: {  	s6 =	simm.s32 $_scs_section_size  }
0x9c: {  	s7 =	simm.s32 $_size__tile_overlayer_lowered;
	s8 =	simm.s32 $_tile_overlayer_lowered  }
0x9d: {  	s22 =	simm.s32 $0x1BFF;
	s21 =	sshll.u32 s8, $0x1;
	s5 =	sadd.s32 s6, s19  }
0x9e: {  	s9 =	simm.s32 $0x0;
	s20 =	sshll.u32 s7, $0x1;
	s7 =	sadd.s32 s21, s5  }
0x9f: {  	[timem:s9], [sflag:s22] =	dma.local [hbm:s7], s20  }
0xa0: {  	_ =	swait.ge [sflag:s22], s20  }
0xa1: {  	s6 =	ssub.s32 $0x0, s20;
	[sflag:s22] =	ssyncset.done $0x0  }
0xa2: {  	[sflag:s22] =	ssyncadd.s32 s6;
	_ =	sdelay $0x1  }
0xa3: {  	s23 =	simm.s32 $0x1B8B  }
0xa4: {  	_ =	swait.ge [sflag:s23], $0x1  }
0xa5: {  	[sflag:s23] =	ssyncset.done $0x0  }
0xa6: {  	s25 =	simm.s32 $0x1B8E;
	s24 =	sld [smem:$0x3FFE];
	[sflag:s23] =	ssyncadd.s32 $0xFFFFFFFF  }
0xa7: {  	s26 =	simm.s32 $execute0_lowered;
	[smem:$0x3FD2] =	sst s25  }
0xa8: {  	s7 =	sshll.u32 s26, $0x1;
	_ =	strace $0x80000046;
	[dreg:$0x1] =	wrdreg $0xFFFFFFFF  }
0xa9: {  	s28 =	simm.s32 $_size_execute0_lowered;
	s5 =	sadd.s32 s5, s7;
	[dreg:$0x0] =	wrdreg $0x0  }
0xaa: {  	s7 =	sshll.u32 s28, $0x1;
	[dreg:$0x2] =	wrdreg s5  }
0xab: {  	[dreg:$0x3] =	wrdreg s7  }
0xac: {  	[dreg:$0x4] =	wrdreg $0xC0  }
0xad: {  	_ =	task [dreg:s9], $0x5FFFF  }
0xae: {  	[dreg:$0x1] =	wrdreg $0xFFFFFFFF  }
0xaf: {  	[dreg:$0x0] =	wrdreg $0x60  }
0xb0: {  	[dreg:$0x2] =	wrdreg s2  }
0xb1: {  	[dreg:$0x3] =	wrdreg s18  }
0xb2: {  	[dreg:$0x4] =	wrdreg s24  }
0xb3: {  	[dreg:$0x5] =	wrdreg s4  }
0xb4: {  	[dreg:$0x6] =	wrdreg $0x9  }
0xb5: {  	_ =	task.clear_ibuf [dreg:s9], $0x7FFFF;
	_ =	strace $0x90000046  }
0xb6: {  	s29 =	simm.s32 $0x9;
	_ =	strace $0x80000048  }
0xb7: {  	_ =	swait.ge [sflag:s29], $0x1  }
0xb8: {  	[sflag:s29] =	ssyncadd.s32 $0xFFFFFFFF  }
0xb9: {  	_ =	strace $0x90000048  }
0xba: {  	_ =	sfence  }
0xbb: {  	s30 =	sld [smem:$0x0];
	_ =	sdelay $0x2  }
0xbc: {  	s31 =	sshll.u32 s1, $0xD;
	s1 =	sshrl.u32 s1, $0x2  }
0xbd: {  	s3 =	sand.u32 $0x4000, s31;
	s1 =	sadd.s32 s1, s30  }
0xbe: {  	s0 =	sor.u32 s3, s0;
	s1 =	sshll.u32 s1, $0x11  }
0xbf: {  	s0 =	sor.u32 s1, s0  }
0xc0: {  	s0 =	sadd.s32 $0x8F2B, s0  }
0xc1: {  	[sflag:s0] =	ssyncadd.remote.s32 $0x1  }
0xc2: {  	_ =	sfence.sel $0xFFFF  }
0xc3: {  	[dreg:$0x0] =	wrdreg $0xFFFFFFFF;
	(pc) =	sbr.abs _section_cstart, $3  }
0xc4: {  	[dreg:$0x1] =	wrdreg $0xFFFFFFFF  }
0xc5: {  	_ =	task.clear_ibuf [dreg:s9], $0x2FFFF;
	_ =	strace $0x9FFFFFFF  }
0xc6: {  	(tm) =	ssettm $0x7FFFFFFF  }
0xc7: {  	_ =	shalt  }
tec
execute0_lowered:
.L_overlay_start_1:
0x0: {  	(tag) =	ssettag $0x1  }
0x1: {  	s8 =	rddreg [dreg:$0x0]  }
0x2: {  	s9 =	rddreg [dreg:$0x1]  }
0x3: {  	s2 =	rddreg [dreg:$0x2];
	s1 =	srdreg.scid  }
0x4: {  	s0 =	stileid.u32;
	s3 =	rddreg [dreg:$0x3];
	s4 =	simm.s32 $0x0  }
0x5: {  	s13 =	simm.s32 $0x3E00;
	s14 =	simm.s32 $0x3E80;
	s15 =	simm.s32 $0x2  }
0x6: {  	s16 =	simm.s32 $0x3000;
	s17 =	simm.s32 $0x1000;
	s18 =	simm.s32 $0x2000  }
0x7: {  	s19 =	simm.s32 $0x2800;
	s20 =	simm.s32 $0x1;
	s21 =	simm.s32 $0x3D00  }
0x8: {  	s22 =	simm.s32 $0x3D80;
	s5 =	sand.u32 $0x1, s1;
	s1 =	rddreg [dreg:$0x4]  }
0x9: {  	s23 =	simm.s32 $0x0;
	s6 =	sshll.u32 s0, $0x1;
	[smem:$0x7FF] =	sst s4  }
0xa: {  	s29 =	sshll.u32 s0, $0x7;
	s6 =	sor.u32 s5, s6;
	_ =	strace $0x80000047  }
0xb: {  	s5 =	ssub.s32 $0x2, s5;
	s30 =	sand.u32 $0x600, s29;
	s7 =	smul.u32 $0x1A0, s6  }
0xc: {  	s10 =	sshll.u32 s6, $0x4;
	s28 =	sshrl.u32 s5, $0x1;
	s6 =	sshll.u32 s6, $0x8  }
0xd: {  	s11 =	sadd.s32 s10, s2;
	s12 =	ssub.s32 s5, s28;
	s31 =	sand.u32 $0x700, s6  }
0xe: {  	s6 =	sadd.s32 s8, s30;
	s7 =	sadd.s32 s7, s2;
	s8 =	sadd.s32 s8, s31  }
0xf: {  	s10 =	sadd.s32 $0x3600, s11;
	s11 =	sadd.s32 $0x3800, s11;
	s12 =	smax.u32 s12, $0x1  }
0x10: {  	v0 =	vimm.f32 $0.0e+00;
	s5 =	sadd.s32 $0x200, s7;
	s7 =	sadd.s32 s9, s30;
	s9 =	sadd.s32 s9, s31  }
.LBB2_1:
0x11: {  	[tilespmem:s13], [sflag:$0x2] =	stream.linear.gather [hbm4b:s3+s4], $0x1, $0x38;
	[tilespmem:$0x3F00] =	vst v63  }
0x12: {  	_ = 	snop  }
0x13: {  	[tilespmem:s14], [sflag:$0x2] =	stream.linear.gather [hbm4b:s2+s4], $0x1, $0x38;
	[tilespmem:$0x3F00] =	vst v63  }
0x14: {  	_ =	swait.ge [sflag:s15], $0x1  }
0x15: {  	[sflag:s15] =	ssyncset.done $0x0  }
0x16: {  	[sflag:s15] =	ssyncadd.s32 $0xFFFFFFFF  }
0x17: {  	_ =	swait.ge [sflag:s15], $0x1  }
0x18: {  	[sflag:s15] =	ssyncset.done $0x0  }
0x19: {  	[sflag:s15] =	ssyncadd.s32 $0xFFFFFFFF  }
0x1a: {  	v1 =	vld.msk [tilespmem:$0x3E00 ss:$0x0], $0xffff  }
0x1b: {  	v2 =	vld.msk [tilespmem:$0x3E80 ss:$0x0], $0xffff;
	[tilespmem:s16], [sflag:$0x1] =	stream.linear.gather [hbm4b:s5+s4], $0xD00, $0x38  }
0x1c: {  	_ = 	snop  }
0x1d: {  	[tilespmem:s4], [sflag:$0x1] =	stream.linear.gather [hbm4b:s6+s4], $0x1000, $0x38;
	[tilespmem:$0x3F00] =	vst v63  }
0x1e: {  	_ = 	snop  }
0x1f: {  	[tilespmem:s17], [sflag:$0x1] =	stream.linear.gather [hbm4b:s7+s4], $0x1000, $0x38;
	[tilespmem:$0x3F00] =	vst v63  }
0x20: {  	_ = 	snop  }
0x21: {  	[tilespmem:s18], [sflag:$0x1] =	stream.linear.gather [hbm4b:s8+s4], $0x800, $0x38;
	[tilespmem:$0x3F00] =	vst v63  }
0x22: {  	_ = 	snop  }
0x23: {  	[tilespmem:s19], [sflag:$0x1] =	stream.linear.gather [hbm4b:s9+s4], $0x800, $0x38;
	[tilespmem:$0x3F00] =	vst v63  }
0x24: {  	_ =	swait.ge [sflag:s20], $0xD00  }
0x25: {  	[sflag:s20] =	ssyncset.done $0x0  }
0x26: {  	[sflag:s20] =	ssyncadd.s32 $0xFFFFF300  }
0x27: {  	_ =	swait.ge [sflag:s20], $0x1000  }
0x28: {  	[sflag:s20] =	ssyncset.done $0x0  }
0x29: {  	[sflag:s20] =	ssyncadd.s32 $0xFFFFF000  }
0x2a: {  	_ =	swait.ge [sflag:s20], $0x1000  }
0x2b: {  	[sflag:s20] =	ssyncset.done $0x0  }
0x2c: {  	[sflag:s20] =	ssyncadd.s32 $0xFFFFF000  }
0x2d: {  	_ =	swait.ge [sflag:s20], $0x800  }
0x2e: {  	[sflag:s20] =	ssyncset.done $0x0  }
0x2f: {  	[sflag:s20] =	ssyncadd.s32 $0xFFFFF800  }
0x30: {  	_ =	swait.ge [sflag:s20], $0x800  }
0x31: {  	[sflag:s20] =	ssyncset.done $0x0  }
0x32: {  	s24 =	simm.s32 $0x3040;
	[sflag:s20] =	ssyncadd.s32 $0xFFFFF800  }
0x33: {  	v5 =	vld [tilespmem:s24+$0xFFFFFFC0];
	_ =	sdelay $0x1  }
0x34: {  	v8 =	vld [tilespmem:s24+$0xFFFFFFF0]  }
0x35: {  	v9 =	vld [tilespmem:s24+$0x30]  }
0x36: {  	v10 =	vld [tilespmem:s24+$0x10]  }
0x37: {  	v11 =	vand.u32 v2, v5  }
0x38: {  	v6 =	vld [tilespmem:s24+$0x0]  }
0x39: {  	v12 =	vld [tilespmem:s24+$0xFFFFFFE0];
	v16 =	vand.u32 v2, v8  }
0x3a: {  	v4 =	vld [tilespmem:s24+$0xFFFFFFD0];
	v3 =	vshrl.u32 v5, $0xB;
	v15 =	vand.u32 v2, v9  }
0x3b: {  	v17 =	vand.u32 v2, v10;
	v7 =	vand.u32 v1, v3;
	v3 =	vld [tilespmem:s24+$0x20]  }
0x3c: {  	v18 =	vld.idx.msk [tilespmem:v11+s19+$0x0], $0xffff  }
0x3d: {  	v11 =	vld.idx.msk [tilespmem:v11+s18+$0x0], $0xffff  }
0x3e: {  	v57 =	vand.u32 v2, v12;
	v20 =	vld.idx.msk [tilespmem:v16+s19+$0x0], $0xffff  }
0x3f: {  	v23 =	vld.idx.msk [tilespmem:v15+s18+$0x0], $0xffff  }
0x40: {  	v19 =	vshrl.u32 v10, $0xB;
	v24 =	vld.idx.msk [tilespmem:v17+s18+$0x0], $0xffff  }
0x41: {  	v19 =	vand.u32 v1, v19;
	v26 =	vld.idx.msk [tilespmem:v15+s19+$0x0], $0xffff  }
0x42: {  	v27 =	vshrl.u32 v9, $0xB;
	vm0 =	vgt.s32 v9, $0xFFFFFFFF;
	v9 =	vshrl.u32 v12, $0xB;
	v17 =	vld.idx.msk [tilespmem:v17+s19+$0x0], $0xffff  }
0x43: {  	v30 =	vshrl.u32 v8, $0xB;
	vm8 =	vgt.s32 v12, $0xFFFFFFFF;
	v27 =	vand.u32 v1, v27;
	v12 =	vld.idx.msk [tilespmem:v57+s19+$0x0], $0xffff  }
0x44: {  	v22 =	vshrl.u32 v6, $0xB;
	v30 =	vand.u32 v1, v30;
	v14 =	vld.idx.msk [tilespmem:v7+s17+$0x0], $0xffff  }
0x45: {  	v22 =	vand.u32 v1, v22;
	v7 =	vld.idx.msk [tilespmem:v7+s4+$0x0], $0xffff  }
0x46: {  	v15 =	vld.idx.msk [tilespmem:v19+s17+$0x0], $0xffff  }
0x47: {  	v9 =	vand.u32 v1, v9;
	v19 =	vld.idx.msk [tilespmem:v19+s4+$0x0], $0xffff  }
0x48: {  	v33 =	vld.idx.msk [tilespmem:v27+s17+$0x0], $0xffff  }
0x49: {  	v13 =	vand.u32 v2, v4;
	v61 =	vld.idx.msk [tilespmem:v30+s17+$0x0], $0xffff  }
0x4a: {  	v28 =	vand.u32 v2, v6;
	v31 =	vshrl.u32 v4, $0xB;
	vm3 =	vgt.s32 v5, $0xFFFFFFFF;
	v29 =	vld.idx.msk [tilespmem:v22+s17+$0x0], $0xffff  }
0x4b: {  	v25 =	vand.u32 v2, v3;
	v32 =	vshrl.u32 v3, $0xB;
	v5 =	vld.idx.msk [tilespmem:v22+s4+$0x0], $0xffff;
	v7 =	vsub.f32 v7, v11  }
0x4c: {  	v22 =	vand.u32 v1, v31;
	v58 =	vld.idx.msk [tilespmem:v9+s17+$0x0], $0xffff;
	v56 =	vand.u32 v1, v32;
	vm1 =	vgt.f32 v14, v18  }
0x4d: {  	vm2 =	vlt.f32 v14, v18;
	vm4 =	vgt.f32 v15, v17;
	v14 =	vsub.f32 $0.0e+00, v7  }
0x4e: {  	vm5 =	vlt.f32 v15, v17;
	v17 =	vld.idx.msk [tilespmem:v27+s4+$0x0], $0xffff;
	vm10 =	vgt.f32 v33, v26;
	vm7 =	vlt.f32 v61, v20  }
0x4f: {  	vm2 =	vmor vm1, vm2;
	v7 =	vsel vm1, v7, v14;
	v14 =	vsub.f32 v19, v24;
	v19 =	vld.idx.msk [tilespmem:v28+s18+$0x0], $0xffff  }
0x50: {  	vm2 =	vmand vm3, vm2;
	vm3 =	vgt.s32 v10, $0xFFFFFFFF;
	v10 =	vld.idx.msk [tilespmem:v28+s19+$0x0], $0xffff;
	v7 =	vsub.f32 $1.000000010e-01, v7  }
0x51: {  	v16 =	vld.idx.msk [tilespmem:v16+s18+$0x0], $0xffff;
	vm11 =	vlt.f32 v58, v12;
	v59 =	vsel vm2, $0x3F800000, v0;
	v60 =	vsub.f32 $0.0e+00, v14  }
0x52: {  	v18 =	vld.idx.msk [tilespmem:v25+s19+$0x0], $0xffff;
	vm1 =	vgt.s32 v6, $0xFFFFFFFF;
	v15 =	vadd.f32 v59, v0;
	v7 =	vmax.f32 v7, $0.0e+00  }
0x53: {  	v6 =	vsel vm4, v14, v60;
	vm4 =	vmor vm4, vm5;
	v14 =	vnsel vm2, $0x0, v7;
	v7 =	vld.idx.msk [tilespmem:v30+s4+$0x0], $0xffff  }
0x54: {  	vm5 =	vgt.s32 v8, $0xFFFFFFFF;
	v8 =	vld.idx.msk [tilespmem:v56+s17+$0x0], $0xffff;
	v6 =	vsub.f32 $1.000000010e-01, v6;
	v19 =	vsub.f32 v5, v19  }
0x55: {  	v21 =	vld.idx.msk [tilespmem:v13+s19+$0x0], $0xffff;
	v23 =	vsub.f32 v17, v23;
	vm2 =	vgt.f32 v29, v10;
	vm3 =	vmand vm3, vm4  }
0x56: {  	v63 =	vld.idx.msk [tilespmem:v22+s17+$0x0], $0xffff;
	vm4 =	vlt.f32 v33, v26;
	v6 =	vmax.f32 v6, $0.0e+00;
	v62 =	vsub.f32 $0.0e+00, v19  }
0x57: {  	v5 =	vsel vm3, $0x3F800000, v0;
	v6 =	vnsel vm3, $0x0, v6;
	vm3 =	vlt.f32 v29, v10  }
0x58: {  	v13 =	vld.idx.msk [tilespmem:v13+s18+$0x0], $0xffff;
	v10 =	vsel vm2, v19, v62;
	vm3 =	vmor vm2, vm3;
	vm2 =	vgt.f32 v61, v20  }
0x59: {  	v11 =	vld.idx.msk [tilespmem:v25+s18+$0x0], $0xffff;
	vm6 =	vgt.f32 v8, v18;
	v16 =	vsub.f32 v7, v16;
	v17 =	vsub.f32 $1.000000010e-01, v10  }
0x5a: {  	v19 =	vld.idx.msk [tilespmem:v56+s4+$0x0], $0xffff;
	vm9 =	vmand vm1, vm3;
	vm1 =	vmor vm2, vm7;
	vm7 =	vlt.f32 v8, v18  }
0x5b: {  	v10 =	vld.idx.msk [tilespmem:v22+s4+$0x0], $0xffff;
	vm3 =	vmor vm10, vm4;
	vm4 =	vlt.f32 v63, v21;
	v8 =	vsub.f32 $0.0e+00, v23  }
0x5c: {  	vm1 =	vmand vm5, vm1;
	vm0 =	vmand vm0, vm3;
	vm5 =	vgt.f32 v63, v21;
	v21 =	vld.idx.msk [tilespmem:v9+s4+$0x0], $0xffff  }
0x5d: {  	vm3 =	vgt.f32 v58, v12;
	vm7 =	vmor vm6, vm7;
	v7 =	vsel vm10, v23, v8;
	v23 =	vld.idx.msk [tilespmem:v57+s18+$0x0], $0xffff  }
0x5e: {  	v12 =	vimm.f32 $0.0e+00;
	v9 =	vimm.f32 $0.0e+00;
	v20 =	vsel vm1, $0x3F800000, v0  }
0x5f: {  	vm10 =	vmor vm3, vm11;
	v8 =	vimm.f32 $0.0e+00;
	v18 =	vsub.f32 v19, v11  }
0x60: {  	v19 =	vsub.f32 $1.000000010e-01, v7;
	v11 =	vimm.f32 $0.0e+00;
	v7 =	vimm.f32 $0.0e+00  }
0x61: {  	s25 =	simm.s32 $0x30C0;
	s24 =	simm.s32 $0x0;
	v22 =	vsub.f32 v10, v13;
	v13 =	vimm.f32 $0.0e+00;
	v10 =	vimm.f32 $0.0e+00  }
.LBB2_2:
0x62: {  	v24 =	vld [tilespmem:s25+$0xFFFFFFC0];
	s24 =	sadd.s32 $0x80, s24;
	v23 =	vsub.f32 v21, v23;
	v17 =	vmax.f32 v17, $0.0e+00;
	v25 =	vsel vm9, $0x3F800000, v0  }
0x63: {  	vm10 =	vmand vm8, vm10;
	v21 =	vld [tilespmem:s25+$0x0];
	p0 =	slt.u32 s24, $0xC80;
	v26 =	vsub.f32 $0.0e+00, v22;
	v15 =	vadd.f32 v25, v15  }
0x64: {  	vm8 =	vgt.s32 v4, $0xFFFFFFFF;
	v11 =	vadd.f32 v20, v11;
	vm11 =	vgt.s32 v3, $0xFFFFFFFF;
	v25 =	vld [tilespmem:s25+$0x10]  }
0x65: {  	v13 =	vadd.f32 v14, v13;
	v14 =	vnsel vm9, $0x0, v17;
	v20 =	vld [tilespmem:s25+$0x30];
	v4 =	vsel vm5, v22, v26  }
0x66: {  	v17 =	vsel vm0, $0x3F800000, v0;
	v26 =	vsub.f32 $0.0e+00, v23;
	v3 =	vld [tilespmem:s25+$0x20];
	v22 =	vsub.f32 $1.000000010e-01, v4  }
0x67: {  	v28 =	vsub.f32 $0.0e+00, v18;
	v29 =	vmax.f32 v19, $0.0e+00;
	v27 =	vshrl.u32 v24, $0xB;
	v4 =	vld [tilespmem:s25+$0xFFFFFFD0]  }
0x68: {  	v11 =	vadd.f32 v17, v11;
	v30 =	vand.u32 v2, v24;
	v27 =	vand.u32 v1, v27;
	v31 =	vld [tilespmem:s25+$0xFFFFFFF0]  }
0x69: {  	v18 =	vsel vm6, v18, v28;
	v17 =	vld [tilespmem:s25+$0xFFFFFFE0];
	v32 =	vshrl.u32 v25, $0xB;
	v33 =	vand.u32 v2, v25  }
0x6a: {  	v23 =	vsel vm3, v23, v26;
	v19 =	vshrl.u32 v20, $0xB;
	v28 =	vand.u32 v2, v20  }
0x6b: {  	v18 =	vsub.f32 $1.000000010e-01, v18;
	vm3 =	vgt.s32 v20, $0xFFFFFFFF;
	v26 =	vand.u32 v1, v19  }
0x6c: {  	v23 =	vsub.f32 $1.000000010e-01, v23;
	v34 =	vshrl.u32 v4, $0xB;
	v35 =	vand.u32 v2, v4  }
0x6d: {  	v37 =	vmax.f32 v18, $0.0e+00;
	v36 =	vld.idx.msk [tilespmem:v27+s17+$0x0], $0xffff;
	v20 =	vshrl.u32 v31, $0xB;
	v19 =	vand.u32 v2, v31  }
0x6e: {  	vm6 =	vmand vm11, vm7;
	v27 =	vld.idx.msk [tilespmem:v27+s4+$0x0], $0xffff;
	v18 =	vshrl.u32 v17, $0xB;
	v38 =	vand.u32 v1, v20  }
0x6f: {  	v41 =	vsel vm6, $0x3F800000, v0;
	v40 =	vand.u32 v2, v3;
	v39 =	vld.idx.msk [tilespmem:v30+s19+$0x0], $0xffff;
	v20 =	vand.u32 v1, v18  }
0x70: {  	v42 =	vshrl.u32 v21, $0xB;
	v23 =	vmax.f32 v23, $0.0e+00;
	v43 =	vshrl.u32 v3, $0xB;
	v30 =	vld.idx.msk [tilespmem:v30+s18+$0x0], $0xffff  }
0x71: {  	v32 =	vand.u32 v1, v32;
	v23 =	vnsel vm10, $0x0, v23;
	v43 =	vand.u32 v1, v43;
	v18 =	vld.idx.msk [tilespmem:v35+s19+$0x0], $0xffff  }
0x72: {  	v45 =	vand.u32 v2, v21;
	v42 =	vand.u32 v1, v42;
	v12 =	vadd.f32 v23, v12;
	v44 =	vld.idx.msk [tilespmem:v19+s19+$0x0], $0xffff  }
0x73: {  	vm4 =	vmor vm5, vm4;
	v47 =	vsub.f32 $0.0e+00, v16;
	v46 =	vsel vm10, $0x3F800000, v0;
	v23 =	vld.idx.msk [tilespmem:v28+s18+$0x0], $0xffff  }
0x74: {  	vm4 =	vmand vm8, vm4;
	v13 =	vadd.f32 v14, v13;
	v22 =	vmax.f32 v22, $0.0e+00;
	v48 =	vld.idx.msk [tilespmem:v33+s18+$0x0], $0xffff  }
0x75: {  	vm7 =	vgt.s32 v24, $0xFFFFFFFF;
	v14 =	vnsel vm6, $0x0, v37;
	vm5 =	vgt.f32 v36, v39;
	v24 =	vld.idx.msk [tilespmem:v28+s19+$0x0], $0xffff  }
0x76: {  	v16 =	vsel vm2, v16, v47;
	vm6 =	vlt.f32 v36, v39;
	v27 =	vsub.f32 v27, v30;
	v28 =	vld.idx.msk [tilespmem:v32+s17+$0x0], $0xffff  }
0x77: {  	v16 =	vsub.f32 $1.000000010e-01, v16;
	vm2 =	vmor vm5, vm6;
	v30 =	vld.idx.msk [tilespmem:v35+s18+$0x0], $0xffff;
	v35 =	vsel vm4, $0x3F800000, v0  }
0x78: {  	v8 =	vadd.f32 v46, v8;
	v34 =	vand.u32 v1, v34;
	v36 =	vsub.f32 $0.0e+00, v27;
	v32 =	vld.idx.msk [tilespmem:v32+s4+$0x0], $0xffff  }
0x79: {  	v22 =	vnsel vm4, $0x0, v22;
	vm6 =	vmand vm7, vm2;
	v10 =	vadd.f32 v35, v10;
	v37 =	vld.idx.msk [tilespmem:v42+s17+$0x0], $0xffff  }
0x7a: {  	v8 =	vadd.f32 v41, v8;
	v35 =	vand.u32 v2, v17;
	v27 =	vsel vm5, v27, v36;
	v36 =	vld.idx.msk [tilespmem:v40+s18+$0x0], $0xffff  }
0x7b: {  	v9 =	vadd.f32 v22, v9;
	v39 =	vsel vm6, $0x3F800000, v0;
	v27 =	vsub.f32 $1.000000010e-01, v27;
	v33 =	vld.idx.msk [tilespmem:v33+s19+$0x0], $0xffff  }
0x7c: {  	v16 =	vmax.f32 v16, $0.0e+00;
	v12 =	vadd.f32 v14, v12;
	vm2 =	vgt.s32 v25, $0xFFFFFFFF;
	v22 =	vld.idx.msk [tilespmem:v40+s19+$0x0], $0xffff  }
0x7d: {  	v16 =	vnsel vm1, $0x0, v16;
	vm4 =	vgt.s32 v21, $0xFFFFFFFF;
	v14 =	vmax.f32 v27, $0.0e+00;
	v25 =	vld.idx.msk [tilespmem:v20+s17+$0x0], $0xffff  }
0x7e: {  	v10 =	vadd.f32 v5, v10;
	v14 =	vnsel vm6, $0x0, v14;
	v27 =	vsub.f32 v32, v48;
	v21 =	vld.idx.msk [tilespmem:v42+s4+$0x0], $0xffff  }
0x7f: {  	v9 =	vadd.f32 v6, v9;
	v6 =	vnsel vm0, $0x0, v29;
	v5 =	vadd.f32 v16, v7;
	v32 =	vld.idx.msk [tilespmem:v45+s18+$0x0], $0xffff  }
0x80: {  	v29 =	vsub.f32 $0.0e+00, v27;
	v16 =	vld.idx.msk [tilespmem:v45+s19+$0x0], $0xffff  }
0x81: {  	v7 =	vadd.f32 v6, v5;
	vm0 =	vgt.f32 v28, v33;
	vm1 =	vlt.f32 v28, v33;
	v28 =	vld.idx.msk [tilespmem:v26+s17+$0x0], $0xffff  }
0x82: {  	v5 =	vsel vm0, v27, v29;
	vm1 =	vmor vm0, vm1;
	v26 =	vld.idx.msk [tilespmem:v26+s4+$0x0], $0xffff  }
0x83: {  	vm0 =	vgt.s32 v31, $0xFFFFFFFF;
	v6 =	vsub.f32 $1.000000010e-01, v5;
	vm1 =	vmand vm2, vm1;
	v27 =	vld.idx.msk [tilespmem:v38+s4+$0x0], $0xffff  }
0x84: {  	v5 =	vsel vm1, $0x3F800000, v0;
	v29 =	vld.idx.msk [tilespmem:v38+s17+$0x0], $0xffff  }
0x85: {  	v21 =	vsub.f32 v21, v32;
	v6 =	vmax.f32 v6, $0.0e+00;
	v31 =	vld.idx.msk [tilespmem:v43+s17+$0x0], $0xffff  }
0x86: {  	v15 =	vadd.f32 v39, v15;
	vm2 =	vgt.f32 v37, v16;
	v6 =	vnsel vm1, $0x0, v6;
	v32 =	vld.idx.msk [tilespmem:v34+s17+$0x0], $0xffff  }
0x87: {  	vm8 =	vgt.s32 v17, $0xFFFFFFFF;
	v17 =	vsub.f32 $0.0e+00, v21;
	vm10 =	vgt.f32 v28, v24;
	v33 =	vld.idx.msk [tilespmem:v34+s4+$0x0], $0xffff  }
0x88: {  	vm1 =	vlt.f32 v37, v16;
	v34 =	vld.idx.msk [tilespmem:v35+s19+$0x0], $0xffff  }
0x89: {  	vm1 =	vmor vm2, vm1;
	v26 =	vsub.f32 v26, v23;
	v16 =	vsel vm2, v21, v17;
	v37 =	vld.idx.msk [tilespmem:v43+s4+$0x0], $0xffff  }
0x8a: {  	vm5 =	vlt.f32 v28, v24;
	vm2 =	vgt.f32 v29, v44;
	v17 =	vsub.f32 $1.000000010e-01, v16;
	v19 =	vld.idx.msk [tilespmem:v19+s18+$0x0], $0xffff  }
0x8b: {  	vm9 =	vmand vm4, vm1;
	vm7 =	vlt.f32 v29, v44;
	vm6 =	vgt.f32 v31, v22;
	v21 =	vld.idx.msk [tilespmem:v20+s4+$0x0], $0xffff  }
0x8c: {  	vm5 =	vmor vm10, vm5;
	vm1 =	vmor vm2, vm7;
	vm7 =	vlt.f32 v31, v22;
	v23 =	vld.idx.msk [tilespmem:v35+s18+$0x0], $0xffff  }
.Ltmp0:
0x8d: {  	v22 =	vsub.f32 $0.0e+00, v26;
	vm4 =	vlt.f32 v32, v18;
	vm1 =	vmand vm0, vm1;
	(pc) =	sbr.rel @p0 .LBB2_2-.Ltmp0, $4  }
0x8e: {  	vm0 =	vmand vm3, vm5;
	v20 =	vsel vm1, $0x3F800000, v0;
	vm11 =	vlt.f32 v25, v34  }
0x8f: {  	vm5 =	vgt.f32 v32, v18;
	vm3 =	vgt.f32 v25, v34;
	v18 =	vsub.f32 v37, v36  }
0x90: {  	vm7 =	vmor vm6, vm7;
	v16 =	vsub.f32 v27, v19;
	v19 =	vsel vm10, v26, v22  }
0x91: {  	s25 =	sadd.s32 $0x80, s25;
	v22 =	vsub.f32 v33, v30;
	vm10 =	vmor vm3, vm11;
	v19 =	vsub.f32 $1.000000010e-01, v19  }
0x92: {  	v1 =	vsub.f32 v21, v23;
	v2 =	vsel vm9, $0x3F800000, v0  }
0x93: {  	v17 =	vmax.f32 v17, $0.0e+00;
	vm8 =	vmand vm8, vm10;
	vm14 =	vgt.s32 v4, $0xFFFFFFFF  }
0x94: {  	v48 =	vsub.f32 $0.0e+00, v18;
	v11 =	vadd.f32 v20, v11;
	vm11 =	vgt.s32 v3, $0xFFFFFFFF  }
0x95: {  	v3 =	vadd.f32 v14, v13;
	vm4 =	vmor vm5, vm4;
	v54 =	vsub.f32 $0.0e+00, v16  }
0x96: {  	v2 =	vadd.f32 v2, v15;
	v49 =	vsub.f32 $0.0e+00, v22;
	v52 =	vnsel vm9, $0x0, v17  }
0x97: {  	v53 =	vmax.f32 v19, $0.0e+00;
	vm15 =	vmand vm11, vm7;
	vm4 =	vmand vm14, vm4  }
0x98: {  	v55 =	vsel vm8, $0x3F800000, v0;
	v47 =	vsub.f32 $0.0e+00, v1;
	v51 =	vsel vm5, v22, v49  }
0x99: {  	v50 =	vsel vm6, v18, v48;
	v16 =	vsel vm2, v16, v54;
	v4 =	vsub.f32 $1.000000010e-01, v51  }
0x9a: {  	v56 =	vsel vm4, $0x3F800000, v0;
	v3 =	vadd.f32 v52, v3;
	v1 =	vsel vm3, v1, v47  }
0x9b: {  	v8 =	vadd.f32 v55, v8;
	v1 =	vsub.f32 $1.000000010e-01, v1;
	v4 =	vmax.f32 v4, $0.0e+00  }
0x9c: {  	v13 =	vsub.f32 $1.000000010e-01, v50;
	v16 =	vsub.f32 $1.000000010e-01, v16;
	v4 =	vnsel vm4, $0x0, v4  }
0x9d: {  	v10 =	vadd.f32 v56, v10;
	v1 =	vmax.f32 v1, $0.0e+00;
	v4 =	vadd.f32 v4, v9  }
0x9e: {  	v13 =	vmax.f32 v13, $0.0e+00;
	v58 =	vmax.f32 v16, $0.0e+00;
	v1 =	vnsel vm8, $0x0, v1  }
0x9f: {  	v59 =	vnsel vm1, $0x0, v58;
	v1 =	vadd.f32 v1, v12;
	v4 =	vadd.f32 v6, v4  }
0xa0: {  	v5 =	vadd.f32 v5, v10;
	v57 =	vnsel vm15, $0x0, v13;
	v6 =	vadd.f32 v59, v7  }
0xa1: {  	v60 =	vsel vm15, $0x3F800000, v0;
	v1 =	vadd.f32 v57, v1;
	v3 =	vadd.f32 v4, v3  }
0xa2: {  	v62 =	vnsel vm0, $0x0, v53;
	v61 =	vadd.f32 v60, v8;
	v2 =	vadd.f32 v5, v2  }
0xa3: {  	v63 =	vsel vm0, $0x3F800000, v0;
	v6 =	vadd.f32 v62, v6;
	v1 =	vadd.f32 v1, v3  }
0xa4: {  	v2 =	vadd.f32 v61, v2;
	v3 =	vadd.f32 v63, v11  }
0xa5: {  	v1 =	vadd.f32 v6, v1  }
0xa6: {  	v2 =	vadd.f32 v3, v2  }
0xa7: {  	[tilespmem:$0x3D00] =	vst v1  }
0xa8: {  	[tilespmem:$0x3D80] =	vst v2  }
0xa9: {  	[hbm4b:s10+s4] =	stream.linear.scatter [tilespmem:s21], [sflag:$0x2], $0x80, $0x38;
	[tilespmem:$0x3F00] =	vst v63  }
0xaa: {  	s23 =	sadd.s32 $0x1, s23;
	_ =	swait.ge [sflag:s15], $0x80  }
0xab: {  	p0 =	sne.s32 s23, s12;
	[sflag:s15] =	ssyncset.done $0x0  }
.Ltmp1:
0xac: {  	[sflag:s15] =	ssyncadd.s32 $0xFFFFFF80;
	(pc) =	sbr.rel @p0 .LBB2_1-.Ltmp1, $4  }
0xad: {  	[hbm4b:s11+s4] =	stream.linear.scatter [tilespmem:s22], [sflag:$0x2], $0x80, $0x38;
	[tilespmem:$0x3F00] =	vst v63  }
0xae: {  	_ =	swait.ge [sflag:s15], $0x80  }
0xaf: {  	[sflag:s15] =	ssyncset.done $0x0  }
0xb0: {  	[sflag:s15] =	ssyncadd.s32 $0xFFFFFF80  }
0xb1: {  	_ =	sfence.sel $0x180000  }
0xb2: {  	[bflag:$0x0] =	sbarrier.arrive $0xFFFF  }
0xb3: {  	p0 =	sne.s32 s0, $0x0;
	_ =	strace $0x90000047  }
0xb4: {  	s0 =	sadd.s32 @!p0 $0x100000, s1;
	[bflag:$0x2] =	sbarrier.arrive $0xFFFF  }
0xb5: {  	[sflag:s0] =	ssyncadd.tile.s32 @!p0 $0x1;
	_ =	shalt  }
.Lfunc_end2:
_tile_overlayer_lowered:
.L_overlay_start_2:
0xb6: {  	(tag) =	ssettag $0x2  }
0xb7: {  	s0 =	rddreg [dreg:$0x0];
	s2 =	stileid.u32  }
0xb8: {  	s1 =	rddreg [dreg:$0x1];
	p0 =	sne.s32 s2, $0x0  }
0xb9: {  	s3 =	rddreg [dreg:$0x2];
	[bflag:$0x3] =	sbarrier.arrive $0xFFFF;
	s2 =	simm.s32 @!p0 $0x1C02  }
0xba: {  	[timem:s3], [sflag:s2] =	dma.local @!p0 [hbm:s0], s1  }
0xbb: {  	s0 =	simm.s32 @!p0 $0x2  }
0xbc: {  	_ =	swait.ge @!p0 [sflag:s0], s1  }
0xbd: {  	s1 =	ssub.s32 @!p0 $0x0, s1;
	[sflag:s0] =	ssyncset.done @!p0 $0x0  }
0xbe: {  	[sflag:s0] =	ssyncadd.s32 @!p0 s1  }
0xbf: {  	[bflag:$0x3] =	sbarrier.arrive $0xFFFF  }
0xc0: {  	_ =	shalt  }

</sc_bundles>
